<compile_context>
chip_gen: v7x
topology: tpu7x:2x2x1
jax: 0.10.2.dev20260603
libtpu: 0.0.44.dev20260713+nightly
codegen_flags: <defaults>
</compile_context>

<pallas_src>
import functools

import jax
import jax.numpy as jnp
from jax import lax
from jax.experimental import pallas as pl
from jax.experimental.pallas import tpu as pltpu
from jax.experimental.pallas import tpu_sc as plsc

B = 16384
D = 64
DP = 128
NC = 2
NS = 16
NW = NC * NS
BPW = B // NW
CHUNK = 128
NCHUNK = BPW // CHUNK
L = 16

_MESH = plsc.VectorSubcoreMesh(core_axis_name="c", subcore_axis_name="s")


@functools.partial(
    pl.kernel,
    out_type=jax.ShapeDtypeStruct((B, D), jnp.float32),
    mesh=_MESH,
    scratch_types=[
        pltpu.VMEM((3, BPW), jnp.int32),
        pltpu.VMEM((2, CHUNK, DP), jnp.float32),
        pltpu.VMEM((2, CHUNK, DP), jnp.float32),
        pltpu.VMEM((2, CHUNK, DP), jnp.float32),
        pltpu.VMEM((CHUNK, D), jnp.float32),
        pltpu.SemaphoreType.DMA,
    ],
    compiler_params=pltpu.CompilerParams(use_tc_tiling_on_sc=False),
)
def _sc_gather_sum(entp_hbm, relp_hbm, tri_hbm, out_hbm,
                   idx_v, g_s, g_r, g_o, acc, sem):
    wid = lax.axis_index("s") * NC + lax.axis_index("c")
    base = wid * BPW
    pltpu.sync_copy(tri_hbm.at[:, pl.ds(base, BPW)], idx_v)

    def fire(c):
        sl = pl.ds(c * CHUNK, CHUNK)
        pb = c % 2
        return [
            pltpu.async_copy(entp_hbm.at[idx_v.at[0, sl]], g_s.at[pb], sem),
            pltpu.async_copy(relp_hbm.at[idx_v.at[1, sl]], g_r.at[pb], sem),
            pltpu.async_copy(entp_hbm.at[idx_v.at[2, sl]], g_o.at[pb], sem),
        ]

    pending = fire(0)
    for c in range(NCHUNK):
        nxt = fire(c + 1) if c + 1 < NCHUNK else []
        for cp in pending:
            cp.wait()
        pb = c % 2

        def row_sum(p, _):
            for k in range(D // L):
                lo = pl.ds(k * L, L)
                hi = pl.ds(D + k * L, L)
                acc[p, lo] = g_s[pb, p, lo] + g_r[pb, p, lo] + g_o[pb, p, hi]
            return _

        lax.fori_loop(0, CHUNK, row_sum, 0)
        pltpu.sync_copy(acc, out_hbm.at[pl.ds(base + c * CHUNK, CHUNK)])
        pending = nxt


BLKT = 8192


def _stage_body(entt_ref, relt_ref, w_ref, b_ref, entp_ref, relp_ref):
    dn = (((1,), (1,)), ((), ()))
    x = entt_ref[...].T
    y = relt_ref[...].T
    p0 = lax.dot_general(x, w_ref[:, 0:D], dn, preferred_element_type=jnp.float32)
    p2 = lax.dot_general(x, w_ref[:, 2 * D:3 * D], dn, preferred_element_type=jnp.float32)
    p1 = lax.dot_general(y, w_ref[:, D:2 * D], dn, preferred_element_type=jnp.float32)
    entp_ref[:, 0:D] = p0
    entp_ref[:, D:2 * D] = p2
    relp_ref[:, 0:D] = p1 + b_ref[...]
    relp_ref[:, D:2 * D] = jnp.zeros((BLKT, D), jnp.float32)


def _tc_stage(entt, relt, w, b2, nrel):
    grid = (pl.cdiv(nrel, BLKT),)
    return pl.pallas_call(
        _stage_body,
        grid=grid,
        in_specs=[
            pl.BlockSpec((D, BLKT), lambda i: (0, i)),
            pl.BlockSpec((D, BLKT), lambda i: (0, i)),
            pl.BlockSpec((D, 3 * D), lambda i: (0, 0)),
            pl.BlockSpec((1, D), lambda i: (0, 0)),
        ],
        out_specs=[
            pl.BlockSpec((BLKT, DP), lambda i: (i, 0)),
            pl.BlockSpec((BLKT, DP), lambda i: (i, 0)),
        ],
        out_shape=[
            jax.ShapeDtypeStruct((nrel, DP), jnp.float32),
            jax.ShapeDtypeStruct((nrel, DP), jnp.float32),
        ],
        compiler_params=pltpu.CompilerParams(fuse_transposed_lhs_in_matmul=True),
    )(entt, relt, w, b2)


def kernel(triples, entity_table, relation_table, W, b):
    t = triples.astype(jnp.int32)
    tri_t = t.T
    nrel = relation_table.shape[0]
    entt = entity_table.T
    relt = relation_table.T
    entp, relp = _tc_stage(entt, relt, W, b.reshape(1, D), nrel)
    return _sc_gather_sum(entp, relp, tri_t)

# --- scband reference (transcript-rebuilt; emitter-appended) ---
"""Pipeline reference for scband-knowledge-graph-embedding-28467043238220 (READ-ONLY COPY).

The authoritative reference and input builder live on the scoring server;
editing this copy changes nothing except your own understanding.
"""

import jax, jax.numpy as jnp
import numpy as np

NUM_ENTITIES = 1000000
NUM_RELATIONS = 100000
EMBED_DIM = 64
BATCH = 16384


def setup_inputs(seed: int = 0) -> dict:
    key = jax.random.key(seed)
    k1, k2, k3, k4, k5 = jax.random.split(key, 5)
    triples = jax.random.randint(k1, (BATCH, 3), 0, NUM_RELATIONS, dtype=jnp.int64) if jax.config.jax_enable_x64 else jax.random.randint(k1, (BATCH, 3), 0, NUM_RELATIONS, dtype=jnp.int32)
    entity_table = jax.random.normal(k2, (NUM_ENTITIES, EMBED_DIM), dtype=jnp.float32)
    relation_table = jax.random.normal(k3, (NUM_RELATIONS, EMBED_DIM), dtype=jnp.float32)
    # nn.Linear(embed_dim*3, embed_dim): weight [out, in], bias [out]
    bound = 1.0 / np.sqrt(EMBED_DIM * 3)
    W = jax.random.uniform(k4, (EMBED_DIM, EMBED_DIM * 3), dtype=jnp.float32, minval=-bound, maxval=bound)
    b = jax.random.uniform(k5, (EMBED_DIM,), dtype=jnp.float32, minval=-bound, maxval=bound)
    return {"triples": triples, "entity_table": entity_table, "relation_table": relation_table, "W": W, "b": b}


def reference(triples, entity_table, relation_table, W, b):
    subjects = jnp.take(entity_table, triples[:, 0], axis=0)
    relations = jnp.take(relation_table, triples[:, 1], axis=0)
    objects = jnp.take(entity_table, triples[:, 2], axis=0)
    triple_embeds = jnp.concatenate([subjects, relations, objects], axis=1)
    out = triple_embeds @ W.T + b
    return out

if __name__ == "__main__":
    import jax
    _d = setup_inputs()
    print(jax.jit(kernel)(*tuple(_d.values())))

</pallas_src>

<mosaic_0001>
#map = affine_map<(d0, d1) -> (0, 0)>
module attributes {stable_mosaic.version = 14 : i64} {
  func.func @_sc_gather_sum(%arg0: i32, %arg1: i32, %arg2: memref<100000x128xf32, #tpu.memory_space<hbm>>, %arg3: memref<100000x128xf32, #tpu.memory_space<hbm>>, %arg4: memref<3x16384xi32, #tpu.memory_space<hbm>>, %arg5: memref<16384x64xf32, #tpu.memory_space<hbm>>, %arg6: memref<3x512xi32, #tpu.memory_space<vmem>>, %arg7: memref<2x128x128xf32, #tpu.memory_space<vmem>>, %arg8: memref<2x128x128xf32, #tpu.memory_space<vmem>>, %arg9: memref<2x128x128xf32, #tpu.memory_space<vmem>>, %arg10: memref<128x64xf32, #tpu.memory_space<vmem>>, %arg11: memref<!tpu.dma_semaphore, #tpu.memory_space<semaphore_mem>>) attributes {dimension_semantics = [#tpu.dimension_semantics<core_parallel>, #tpu.dimension_semantics<subcore_parallel>], iteration_bounds = array<i64: 2, 16>, scalar_prefetch = 0 : i64, scratch_operands = 6 : i64, tpu.core_type = #tpu.core_type<sc_vector_subcore>, window_params = [{transform_indices = #map}, {transform_indices = #map}, {transform_indices = #map}, {transform_indices = #map}]} {
    %mul3A = arith.constant 2 : i32
    %mul3A_0 = arith.muli %arg1, %mul3A : i32
    %add3A = arith.addi %mul3A_0, %arg0 : i32
    %mul3A_1 = arith.constant 512 : i32
    %mul3A_2 = arith.muli %add3A, %mul3A_1 : i32
    "tpu.region"() ({
      %run_scoped3A = tpu.sem_alloc : memref<!tpu.dma_semaphore, #tpu.memory_space<semaphore_mem>>
      %dma_start3A_320 = arith.constant 0 : i32
      %dma_start3A_321 = tpu.memref_slice %arg4[%dma_start3A_320, %mul3A_2] : memref<3x16384xi32, #tpu.memory_space<hbm>> -> memref<3x512xi32, #tpu.memory_space<hbm>>
      %dma_start3A_322 = arith.constant 0 : i32
      %dma_start3A_323 = tpu.memref_slice %arg4[%dma_start3A_322, %mul3A_2] : memref<3x16384xi32, #tpu.memory_space<hbm>> -> memref<3x512xi32, #tpu.memory_space<hbm>>
      tpu.enqueue_dma source(%dma_start3A_323 : memref<3x512xi32, #tpu.memory_space<hbm>>) target(%arg6 : memref<3x512xi32, #tpu.memory_space<vmem>>) target_semaphore(%run_scoped3A : memref<!tpu.dma_semaphore, #tpu.memory_space<semaphore_mem>>)
      %dma_wait3A_324 = arith.constant 0 : i32
      %dma_wait3A_325 = tpu.memref_slice %arg4[%dma_wait3A_324, %mul3A_2] : memref<3x16384xi32, #tpu.memory_space<hbm>> -> memref<3x512xi32, #tpu.memory_space<hbm>>
      %dma_wait3A_326 = arith.constant 0 : i32
      %dma_wait3A_327 = tpu.memref_slice %arg4[%dma_wait3A_326, %mul3A_2] : memref<3x16384xi32, #tpu.memory_space<hbm>> -> memref<3x512xi32, #tpu.memory_space<hbm>>
      tpu.wait_dma2 semaphore(%run_scoped3A : memref<!tpu.dma_semaphore, #tpu.memory_space<semaphore_mem>>) src(%dma_wait3A_327 : memref<3x512xi32, #tpu.memory_space<hbm>>) dst(%arg6 : memref<3x512xi32, #tpu.memory_space<vmem>>)
      tpu.yield
    }) : () -> ()
    %dma_start3A = arith.constant 0 : i32
    %dma_start3A_3 = arith.constant 0 : i32
    %dma_start3A_4 = arith.constant 0 : i32
    %dma_start3A_5 = arith.constant 0 : i32
    %dma_start3A_6 = tpu.memref_slice %arg7[%dma_start3A_3, %dma_start3A_4, %dma_start3A_5] : memref<2x128x128xf32, #tpu.memory_space<vmem>> -> memref<1x128x128xf32, #tpu.memory_space<vmem>>
    %dma_start3A_7 = tpu.memref_squeeze %dma_start3A_6 : memref<1x128x128xf32, #tpu.memory_space<vmem>> -> memref<128x128xf32, #tpu.memory_space<vmem>>
    %dma_start3A_8 = arith.constant 0 : i32
    %dma_start3A_9 = tpu.memref_slice %arg6[%dma_start3A, %dma_start3A_8] : memref<3x512xi32, #tpu.memory_space<vmem>> -> memref<1x128xi32, #tpu.memory_space<vmem>>
    %dma_start3A_10 = tpu.memref_squeeze %dma_start3A_9 : memref<1x128xi32, #tpu.memory_space<vmem>> -> memref<128xi32, #tpu.memory_space<vmem>>
    %dma_start3A_11 = arith.constant 0 : i32
    %dma_start3A_12 = arith.constant 0 : i32
    %dma_start3A_13 = tpu.memref_slice %arg2[%dma_start3A_11, %dma_start3A_12] : memref<100000x128xf32, #tpu.memory_space<hbm>> -> memref<100000x128xf32, #tpu.memory_space<hbm>>
    tpu.enqueue_indirect_dma source(%dma_start3A_13 : memref<100000x128xf32, #tpu.memory_space<hbm>>) target(%dma_start3A_7 : memref<128x128xf32, #tpu.memory_space<vmem>>) offsets(%dma_start3A_10 : memref<128xi32, #tpu.memory_space<vmem>>) semaphore(%arg11 : memref<!tpu.dma_semaphore, #tpu.memory_space<semaphore_mem>>)
    %dma_start3A_14 = arith.constant 1 : i32
    %dma_start3A_15 = arith.constant 0 : i32
    %dma_start3A_16 = arith.constant 0 : i32
    %dma_start3A_17 = arith.constant 0 : i32
    %dma_start3A_18 = tpu.memref_slice %arg8[%dma_start3A_15, %dma_start3A_16, %dma_start3A_17] : memref<2x128x128xf32, #tpu.memory_space<vmem>> -> memref<1x128x128xf32, #tpu.memory_space<vmem>>
    %dma_start3A_19 = tpu.memref_squeeze %dma_start3A_18 : memref<1x128x128xf32, #tpu.memory_space<vmem>> -> memref<128x128xf32, #tpu.memory_space<vmem>>
    %dma_start3A_20 = arith.constant 0 : i32
    %dma_start3A_21 = tpu.memref_slice %arg6[%dma_start3A_14, %dma_start3A_20] : memref<3x512xi32, #tpu.memory_space<vmem>> -> memref<1x128xi32, #tpu.memory_space<vmem>>
    %dma_start3A_22 = tpu.memref_squeeze %dma_start3A_21 : memref<1x128xi32, #tpu.memory_space<vmem>> -> memref<128xi32, #tpu.memory_space<vmem>>
    %dma_start3A_23 = arith.constant 0 : i32
    %dma_start3A_24 = arith.constant 0 : i32
    %dma_start3A_25 = tpu.memref_slice %arg3[%dma_start3A_23, %dma_start3A_24] : memref<100000x128xf32, #tpu.memory_space<hbm>> -> memref<100000x128xf32, #tpu.memory_space<hbm>>
    tpu.enqueue_indirect_dma source(%dma_start3A_25 : memref<100000x128xf32, #tpu.memory_space<hbm>>) target(%dma_start3A_19 : memref<128x128xf32, #tpu.memory_space<vmem>>) offsets(%dma_start3A_22 : memref<128xi32, #tpu.memory_space<vmem>>) semaphore(%arg11 : memref<!tpu.dma_semaphore, #tpu.memory_space<semaphore_mem>>)
    %dma_start3A_26 = arith.constant 2 : i32
    %dma_start3A_27 = arith.constant 0 : i32
    %dma_start3A_28 = arith.constant 0 : i32
    %dma_start3A_29 = arith.constant 0 : i32
    %dma_start3A_30 = tpu.memref_slice %arg9[%dma_start3A_27, %dma_start3A_28, %dma_start3A_29] : memref<2x128x128xf32, #tpu.memory_space<vmem>> -> memref<1x128x128xf32, #tpu.memory_space<vmem>>
    %dma_start3A_31 = tpu.memref_squeeze %dma_start3A_30 : memref<1x128x128xf32, #tpu.memory_space<vmem>> -> memref<128x128xf32, #tpu.memory_space<vmem>>
    %dma_start3A_32 = arith.constant 0 : i32
    %dma_start3A_33 = tpu.memref_slice %arg6[%dma_start3A_26, %dma_start3A_32] : memref<3x512xi32, #tpu.memory_space<vmem>> -> memref<1x128xi32, #tpu.memory_space<vmem>>
    %dma_start3A_34 = tpu.memref_squeeze %dma_start3A_33 : memref<1x128xi32, #tpu.memory_space<vmem>> -> memref<128xi32, #tpu.memory_space<vmem>>
    %dma_start3A_35 = arith.constant 0 : i32
    %dma_start3A_36 = arith.constant 0 : i32
    %dma_start3A_37 = tpu.memref_slice %arg2[%dma_start3A_35, %dma_start3A_36] : memref<100000x128xf32, #tpu.memory_space<hbm>> -> memref<100000x128xf32, #tpu.memory_space<hbm>>
    tpu.enqueue_indirect_dma source(%dma_start3A_37 : memref<100000x128xf32, #tpu.memory_space<hbm>>) target(%dma_start3A_31 : memref<128x128xf32, #tpu.memory_space<vmem>>) offsets(%dma_start3A_34 : memref<128xi32, #tpu.memory_space<vmem>>) semaphore(%arg11 : memref<!tpu.dma_semaphore, #tpu.memory_space<semaphore_mem>>)
    %dma_start3A_38 = arith.constant 0 : i32
    %dma_start3A_39 = arith.constant 1 : i32
    %dma_start3A_40 = arith.constant 0 : i32
    %dma_start3A_41 = arith.constant 0 : i32
    %dma_start3A_42 = tpu.memref_slice %arg7[%dma_start3A_39, %dma_start3A_40, %dma_start3A_41] : memref<2x128x128xf32, #tpu.memory_space<vmem>> -> memref<1x128x128xf32, #tpu.memory_space<vmem>>
    %dma_start3A_43 = tpu.memref_squeeze %dma_start3A_42 : memref<1x128x128xf32, #tpu.memory_space<vmem>> -> memref<128x128xf32, #tpu.memory_space<vmem>>
    %dma_start3A_44 = arith.constant 128 : i32
    %dma_start3A_45 = tpu.memref_slice %arg6[%dma_start3A_38, %dma_start3A_44] : memref<3x512xi32, #tpu.memory_space<vmem>> -> memref<1x128xi32, #tpu.memory_space<vmem>>
    %dma_start3A_46 = tpu.memref_squeeze %dma_start3A_45 : memref<1x128xi32, #tpu.memory_space<vmem>> -> memref<128xi32, #tpu.memory_space<vmem>>
    %dma_start3A_47 = arith.constant 0 : i32
    %dma_start3A_48 = arith.constant 0 : i32
    %dma_start3A_49 = tpu.memref_slice %arg2[%dma_start3A_47, %dma_start3A_48] : memref<100000x128xf32, #tpu.memory_space<hbm>> -> memref<100000x128xf32, #tpu.memory_space<hbm>>
    tpu.enqueue_indirect_dma source(%dma_start3A_49 : memref<100000x128xf32, #tpu.memory_space<hbm>>) target(%dma_start3A_43 : memref<128x128xf32, #tpu.memory_space<vmem>>) offsets(%dma_start3A_46 : memref<128xi32, #tpu.memory_space<vmem>>) semaphore(%arg11 : memref<!tpu.dma_semaphore, #tpu.memory_space<semaphore_mem>>)
    %dma_start3A_50 = arith.constant 1 : i32
    %dma_start3A_51 = arith.constant 1 : i32
    %dma_start3A_52 = arith.constant 0 : i32
    %dma_start3A_53 = arith.constant 0 : i32
    %dma_start3A_54 = tpu.memref_slice %arg8[%dma_start3A_51, %dma_start3A_52, %dma_start3A_53] : memref<2x128x128xf32, #tpu.memory_space<vmem>> -> memref<1x128x128xf32, #tpu.memory_space<vmem>>
    %dma_start3A_55 = tpu.memref_squeeze %dma_start3A_54 : memref<1x128x128xf32, #tpu.memory_space<vmem>> -> memref<128x128xf32, #tpu.memory_space<vmem>>
    %dma_start3A_56 = arith.constant 128 : i32
    %dma_start3A_57 = tpu.memref_slice %arg6[%dma_start3A_50, %dma_start3A_56] : memref<3x512xi32, #tpu.memory_space<vmem>> -> memref<1x128xi32, #tpu.memory_space<vmem>>
    %dma_start3A_58 = tpu.memref_squeeze %dma_start3A_57 : memref<1x128xi32, #tpu.memory_space<vmem>> -> memref<128xi32, #tpu.memory_space<vmem>>
    %dma_start3A_59 = arith.constant 0 : i32
    %dma_start3A_60 = arith.constant 0 : i32
    %dma_start3A_61 = tpu.memref_slice %arg3[%dma_start3A_59, %dma_start3A_60] : memref<100000x128xf32, #tpu.memory_space<hbm>> -> memref<100000x128xf32, #tpu.memory_space<hbm>>
    tpu.enqueue_indirect_dma source(%dma_start3A_61 : memref<100000x128xf32, #tpu.memory_space<hbm>>) target(%dma_start3A_55 : memref<128x128xf32, #tpu.memory_space<vmem>>) offsets(%dma_start3A_58 : memref<128xi32, #tpu.memory_space<vmem>>) semaphore(%arg11 : memref<!tpu.dma_semaphore, #tpu.memory_space<semaphore_mem>>)
    %dma_start3A_62 = arith.constant 2 : i32
    %dma_start3A_63 = arith.constant 1 : i32
    %dma_start3A_64 = arith.constant 0 : i32
    %dma_start3A_65 = arith.constant 0 : i32
    %dma_start3A_66 = tpu.memref_slice %arg9[%dma_start3A_63, %dma_start3A_64, %dma_start3A_65] : memref<2x128x128xf32, #tpu.memory_space<vmem>> -> memref<1x128x128xf32, #tpu.memory_space<vmem>>
    %dma_start3A_67 = tpu.memref_squeeze %dma_start3A_66 : memref<1x128x128xf32, #tpu.memory_space<vmem>> -> memref<128x128xf32, #tpu.memory_space<vmem>>
    %dma_start3A_68 = arith.constant 128 : i32
    %dma_start3A_69 = tpu.memref_slice %arg6[%dma_start3A_62, %dma_start3A_68] : memref<3x512xi32, #tpu.memory_space<vmem>> -> memref<1x128xi32, #tpu.memory_space<vmem>>
    %dma_start3A_70 = tpu.memref_squeeze %dma_start3A_69 : memref<1x128xi32, #tpu.memory_space<vmem>> -> memref<128xi32, #tpu.memory_space<vmem>>
    %dma_start3A_71 = arith.constant 0 : i32
    %dma_start3A_72 = arith.constant 0 : i32
    %dma_start3A_73 = tpu.memref_slice %arg2[%dma_start3A_71, %dma_start3A_72] : memref<100000x128xf32, #tpu.memory_space<hbm>> -> memref<100000x128xf32, #tpu.memory_space<hbm>>
    tpu.enqueue_indirect_dma source(%dma_start3A_73 : memref<100000x128xf32, #tpu.memory_space<hbm>>) target(%dma_start3A_67 : memref<128x128xf32, #tpu.memory_space<vmem>>) offsets(%dma_start3A_70 : memref<128xi32, #tpu.memory_space<vmem>>) semaphore(%arg11 : memref<!tpu.dma_semaphore, #tpu.memory_space<semaphore_mem>>)
    %dma_wait3A = arith.constant 0 : i32
    %dma_wait3A_74 = arith.constant 0 : i32
    %dma_wait3A_75 = arith.constant 0 : i32
    %dma_wait3A_76 = arith.constant 0 : i32
    %dma_wait3A_77 = tpu.memref_slice %arg7[%dma_wait3A_74, %dma_wait3A_75, %dma_wait3A_76] : memref<2x128x128xf32, #tpu.memory_space<vmem>> -> memref<1x128x128xf32, #tpu.memory_space<vmem>>
    %dma_wait3A_78 = tpu.memref_squeeze %dma_wait3A_77 : memref<1x128x128xf32, #tpu.memory_space<vmem>> -> memref<128x128xf32, #tpu.memory_space<vmem>>
    %dma_wait3A_79 = arith.constant 0 : i32
    %dma_wait3A_80 = tpu.memref_slice %arg6[%dma_wait3A, %dma_wait3A_79] : memref<3x512xi32, #tpu.memory_space<vmem>> -> memref<1x128xi32, #tpu.memory_space<vmem>>
    %dma_wait3A_81 = tpu.memref_squeeze %dma_wait3A_80 : memref<1x128xi32, #tpu.memory_space<vmem>> -> memref<128xi32, #tpu.memory_space<vmem>>
    %dma_wait3A_82 = arith.constant 0 : i32
    %dma_wait3A_83 = arith.constant 0 : i32
    %dma_wait3A_84 = tpu.memref_slice %arg2[%dma_wait3A_82, %dma_wait3A_83] : memref<100000x128xf32, #tpu.memory_space<hbm>> -> memref<100000x128xf32, #tpu.memory_space<hbm>>
    tpu.wait_indirect_dma semaphore(%arg11 : memref<!tpu.dma_semaphore, #tpu.memory_space<semaphore_mem>>) src(%dma_wait3A_84 : memref<100000x128xf32, #tpu.memory_space<hbm>>) dst(%dma_wait3A_78 : memref<128x128xf32, #tpu.memory_space<vmem>>)
    %dma_wait3A_85 = arith.constant 1 : i32
    %dma_wait3A_86 = arith.constant 0 : i32
    %dma_wait3A_87 = arith.constant 0 : i32
    %dma_wait3A_88 = arith.constant 0 : i32
    %dma_wait3A_89 = tpu.memref_slice %arg8[%dma_wait3A_86, %dma_wait3A_87, %dma_wait3A_88] : memref<2x128x128xf32, #tpu.memory_space<vmem>> -> memref<1x128x128xf32, #tpu.memory_space<vmem>>
    %dma_wait3A_90 = tpu.memref_squeeze %dma_wait3A_89 : memref<1x128x128xf32, #tpu.memory_space<vmem>> -> memref<128x128xf32, #tpu.memory_space<vmem>>
    %dma_wait3A_91 = arith.constant 0 : i32
    %dma_wait3A_92 = tpu.memref_slice %arg6[%dma_wait3A_85, %dma_wait3A_91] : memref<3x512xi32, #tpu.memory_space<vmem>> -> memref<1x128xi32, #tpu.memory_space<vmem>>
    %dma_wait3A_93 = tpu.memref_squeeze %dma_wait3A_92 : memref<1x128xi32, #tpu.memory_space<vmem>> -> memref<128xi32, #tpu.memory_space<vmem>>
    %dma_wait3A_94 = arith.constant 0 : i32
    %dma_wait3A_95 = arith.constant 0 : i32
    %dma_wait3A_96 = tpu.memref_slice %arg3[%dma_wait3A_94, %dma_wait3A_95] : memref<100000x128xf32, #tpu.memory_space<hbm>> -> memref<100000x128xf32, #tpu.memory_space<hbm>>
    tpu.wait_indirect_dma semaphore(%arg11 : memref<!tpu.dma_semaphore, #tpu.memory_space<semaphore_mem>>) src(%dma_wait3A_96 : memref<100000x128xf32, #tpu.memory_space<hbm>>) dst(%dma_wait3A_90 : memref<128x128xf32, #tpu.memory_space<vmem>>)
    %dma_wait3A_97 = arith.constant 2 : i32
    %dma_wait3A_98 = arith.constant 0 : i32
    %dma_wait3A_99 = arith.constant 0 : i32
    %dma_wait3A_100 = arith.constant 0 : i32
    %dma_wait3A_101 = tpu.memref_slice %arg9[%dma_wait3A_98, %dma_wait3A_99, %dma_wait3A_100] : memref<2x128x128xf32, #tpu.memory_space<vmem>> -> memref<1x128x128xf32, #tpu.memory_space<vmem>>
    %dma_wait3A_102 = tpu.memref_squeeze %dma_wait3A_101 : memref<1x128x128xf32, #tpu.memory_space<vmem>> -> memref<128x128xf32, #tpu.memory_space<vmem>>
    %dma_wait3A_103 = arith.constant 0 : i32
    %dma_wait3A_104 = tpu.memref_slice %arg6[%dma_wait3A_97, %dma_wait3A_103] : memref<3x512xi32, #tpu.memory_space<vmem>> -> memref<1x128xi32, #tpu.memory_space<vmem>>
    %dma_wait3A_105 = tpu.memref_squeeze %dma_wait3A_104 : memref<1x128xi32, #tpu.memory_space<vmem>> -> memref<128xi32, #tpu.memory_space<vmem>>
    %dma_wait3A_106 = arith.constant 0 : i32
    %dma_wait3A_107 = arith.constant 0 : i32
    %dma_wait3A_108 = tpu.memref_slice %arg2[%dma_wait3A_106, %dma_wait3A_107] : memref<100000x128xf32, #tpu.memory_space<hbm>> -> memref<100000x128xf32, #tpu.memory_space<hbm>>
    tpu.wait_indirect_dma semaphore(%arg11 : memref<!tpu.dma_semaphore, #tpu.memory_space<semaphore_mem>>) src(%dma_wait3A_108 : memref<100000x128xf32, #tpu.memory_space<hbm>>) dst(%dma_wait3A_102 : memref<128x128xf32, #tpu.memory_space<vmem>>)
    %scan3A = arith.constant 0 : i32
    %scan3A_109 = arith.constant 0 : i32
    %scan3A_110 = arith.constant 128 : i32
    %scan3A_111 = arith.addi %scan3A_109, %scan3A_110 : i32
    %scan3A_112 = arith.constant 1 : i32
    scf.for %scan3A_320 = %scan3A_109 to %scan3A_111 step %scan3A_112  : i32 {
      %get3A = arith.constant 0 : i32
      %get3A_321 = arith.index_cast %get3A : i32 to index
      %get3A_322 = arith.index_cast %scan3A_320 : i32 to index
      %get3A_323 = arith.constant 0 : index
      %get3A_324 = tpu.vector_load %arg7[%get3A_321, %get3A_322, %get3A_323] {strides = array<i32>} : memref<2x128x128xf32, #tpu.memory_space<vmem>>, vector<1x1x16xf32>,
      %get3A_325 = vector.shape_cast %get3A_324 : vector<1x1x16xf32> to vector<16xf32>
      %get3A_326 = arith.constant 0 : i32
      %get3A_327 = arith.index_cast %get3A_326 : i32 to index
      %get3A_328 = arith.index_cast %scan3A_320 : i32 to index
      %get3A_329 = arith.constant 0 : index
      %get3A_330 = tpu.vector_load %arg8[%get3A_327, %get3A_328, %get3A_329] {strides = array<i32>} : memref<2x128x128xf32, #tpu.memory_space<vmem>>, vector<1x1x16xf32>,
      %get3A_331 = vector.shape_cast %get3A_330 : vector<1x1x16xf32> to vector<16xf32>
      %add3A_332 = arith.addf %get3A_325, %get3A_331 : vector<16xf32>
      %get3A_333 = arith.constant 0 : i32
      %get3A_334 = arith.index_cast %get3A_333 : i32 to index
      %get3A_335 = arith.index_cast %scan3A_320 : i32 to index
      %get3A_336 = arith.constant 64 : index
      %get3A_337 = tpu.vector_load %arg9[%get3A_334, %get3A_335, %get3A_336] {strides = array<i32>} : memref<2x128x128xf32, #tpu.memory_space<vmem>>, vector<1x1x16xf32>,
      %get3A_338 = vector.shape_cast %get3A_337 : vector<1x1x16xf32> to vector<16xf32>
      %add3A_339 = arith.addf %add3A_332, %get3A_338 : vector<16xf32>
      %swap3A = arith.index_cast %scan3A_320 : i32 to index
      %swap3A_340 = arith.constant 0 : index
      %swap3A_341 = tpu.vector_load %arg10[%swap3A, %swap3A_340] {strides = array<i32>} : memref<128x64xf32, #tpu.memory_space<vmem>>, vector<1x16xf32>,
      %swap3A_342 = vector.shape_cast %swap3A_341 : vector<1x16xf32> to vector<16xf32>
      %swap3A_343 = vector.shape_cast %add3A_339 : vector<16xf32> to vector<1x16xf32>
      tpu.vector_store %arg10[%swap3A, %swap3A_340], %swap3A_343 {strides = array<i32>} : memref<128x64xf32, #tpu.memory_space<vmem>>, vector<1x16xf32>,
      %get3A_344 = arith.constant 0 : i32
      %get3A_345 = arith.index_cast %get3A_344 : i32 to index
      %get3A_346 = arith.index_cast %scan3A_320 : i32 to index
      %get3A_347 = arith.constant 16 : index
      %get3A_348 = tpu.vector_load %arg7[%get3A_345, %get3A_346, %get3A_347] {strides = array<i32>} : memref<2x128x128xf32, #tpu.memory_space<vmem>>, vector<1x1x16xf32>,
      %get3A_349 = vector.shape_cast %get3A_348 : vector<1x1x16xf32> to vector<16xf32>
      %get3A_350 = arith.constant 0 : i32
      %get3A_351 = arith.index_cast %get3A_350 : i32 to index
      %get3A_352 = arith.index_cast %scan3A_320 : i32 to index
      %get3A_353 = arith.constant 16 : index
      %get3A_354 = tpu.vector_load %arg8[%get3A_351, %get3A_352, %get3A_353] {strides = array<i32>} : memref<2x128x128xf32, #tpu.memory_space<vmem>>, vector<1x1x16xf32>,
      %get3A_355 = vector.shape_cast %get3A_354 : vector<1x1x16xf32> to vector<16xf32>
      %add3A_356 = arith.addf %get3A_349, %get3A_355 : vector<16xf32>
      %get3A_357 = arith.constant 0 : i32
      %get3A_358 = arith.index_cast %get3A_357 : i32 to index
      %get3A_359 = arith.index_cast %scan3A_320 : i32 to index
      %get3A_360 = arith.constant 80 : index
      %get3A_361 = tpu.vector_load %arg9[%get3A_358, %get3A_359, %get3A_360] {strides = array<i32>} : memref<2x128x128xf32, #tpu.memory_space<vmem>>, vector<1x1x16xf32>,
      %get3A_362 = vector.shape_cast %get3A_361 : vector<1x1x16xf32> to vector<16xf32>
      %add3A_363 = arith.addf %add3A_356, %get3A_362 : vector<16xf32>
      %swap3A_364 = arith.index_cast %scan3A_320 : i32 to index
      %swap3A_365 = arith.constant 16 : index
      %swap3A_366 = tpu.vector_load %arg10[%swap3A_364, %swap3A_365] {strides = array<i32>} : memref<128x64xf32, #tpu.memory_space<vmem>>, vector<1x16xf32>,
      %swap3A_367 = vector.shape_cast %swap3A_366 : vector<1x16xf32> to vector<16xf32>
      %swap3A_368 = vector.shape_cast %add3A_363 : vector<16xf32> to vector<1x16xf32>
      tpu.vector_store %arg10[%swap3A_364, %swap3A_365], %swap3A_368 {strides = array<i32>} : memref<128x64xf32, #tpu.memory_space<vmem>>, vector<1x16xf32>,
      %get3A_369 = arith.constant 0 : i32
      %get3A_370 = arith.index_cast %get3A_369 : i32 to index
      %get3A_371 = arith.index_cast %scan3A_320 : i32 to index
      %get3A_372 = arith.constant 32 : index
      %get3A_373 = tpu.vector_load %arg7[%get3A_370, %get3A_371, %get3A_372] {strides = array<i32>} : memref<2x128x128xf32, #tpu.memory_space<vmem>>, vector<1x1x16xf32>,
      %get3A_374 = vector.shape_cast %get3A_373 : vector<1x1x16xf32> to vector<16xf32>
      %get3A_375 = arith.constant 0 : i32
      %get3A_376 = arith.index_cast %get3A_375 : i32 to index
      %get3A_377 = arith.index_cast %scan3A_320 : i32 to index
      %get3A_378 = arith.constant 32 : index
      %get3A_379 = tpu.vector_load %arg8[%get3A_376, %get3A_377, %get3A_378] {strides = array<i32>} : memref<2x128x128xf32, #tpu.memory_space<vmem>>, vector<1x1x16xf32>,
      %get3A_380 = vector.shape_cast %get3A_379 : vector<1x1x16xf32> to vector<16xf32>
      %add3A_381 = arith.addf %get3A_374, %get3A_380 : vector<16xf32>
      %get3A_382 = arith.constant 0 : i32
      %get3A_383 = arith.index_cast %get3A_382 : i32 to index
      %get3A_384 = arith.index_cast %scan3A_320 : i32 to index
      %get3A_385 = arith.constant 96 : index
      %get3A_386 = tpu.vector_load %arg9[%get3A_383, %get3A_384, %get3A_385] {strides = array<i32>} : memref<2x128x128xf32, #tpu.memory_space<vmem>>, vector<1x1x16xf32>,
      %get3A_387 = vector.shape_cast %get3A_386 : vector<1x1x16xf32> to vector<16xf32>
      %add3A_388 = arith.addf %add3A_381, %get3A_387 : vector<16xf32>
      %swap3A_389 = arith.index_cast %scan3A_320 : i32 to index
      %swap3A_390 = arith.constant 32 : index
      %swap3A_391 = tpu.vector_load %arg10[%swap3A_389, %swap3A_390] {strides = array<i32>} : memref<128x64xf32, #tpu.memory_space<vmem>>, vector<1x16xf32>,
      %swap3A_392 = vector.shape_cast %swap3A_391 : vector<1x16xf32> to vector<16xf32>
      %swap3A_393 = vector.shape_cast %add3A_388 : vector<16xf32> to vector<1x16xf32>
      tpu.vector_store %arg10[%swap3A_389, %swap3A_390], %swap3A_393 {strides = array<i32>} : memref<128x64xf32, #tpu.memory_space<vmem>>, vector<1x16xf32>,
      %get3A_394 = arith.constant 0 : i32
      %get3A_395 = arith.index_cast %get3A_394 : i32 to index
      %get3A_396 = arith.index_cast %scan3A_320 : i32 to index
      %get3A_397 = arith.constant 48 : index
      %get3A_398 = tpu.vector_load %arg7[%get3A_395, %get3A_396, %get3A_397] {strides = array<i32>} : memref<2x128x128xf32, #tpu.memory_space<vmem>>, vector<1x1x16xf32>,
      %get3A_399 = vector.shape_cast %get3A_398 : vector<1x1x16xf32> to vector<16xf32>
      %get3A_400 = arith.constant 0 : i32
      %get3A_401 = arith.index_cast %get3A_400 : i32 to index
      %get3A_402 = arith.index_cast %scan3A_320 : i32 to index
      %get3A_403 = arith.constant 48 : index
      %get3A_404 = tpu.vector_load %arg8[%get3A_401, %get3A_402, %get3A_403] {strides = array<i32>} : memref<2x128x128xf32, #tpu.memory_space<vmem>>, vector<1x1x16xf32>,
      %get3A_405 = vector.shape_cast %get3A_404 : vector<1x1x16xf32> to vector<16xf32>
      %add3A_406 = arith.addf %get3A_399, %get3A_405 : vector<16xf32>
      %get3A_407 = arith.constant 0 : i32
      %get3A_408 = arith.index_cast %get3A_407 : i32 to index
      %get3A_409 = arith.index_cast %scan3A_320 : i32 to index
      %get3A_410 = arith.constant 112 : index
      %get3A_411 = tpu.vector_load %arg9[%get3A_408, %get3A_409, %get3A_410] {strides = array<i32>} : memref<2x128x128xf32, #tpu.memory_space<vmem>>, vector<1x1x16xf32>,
      %get3A_412 = vector.shape_cast %get3A_411 : vector<1x1x16xf32> to vector<16xf32>
      %add3A_413 = arith.addf %add3A_406, %get3A_412 : vector<16xf32>
      %swap3A_414 = arith.index_cast %scan3A_320 : i32 to index
      %swap3A_415 = arith.constant 48 : index
      %swap3A_416 = tpu.vector_load %arg10[%swap3A_414, %swap3A_415] {strides = array<i32>} : memref<128x64xf32, #tpu.memory_space<vmem>>, vector<1x16xf32>,
      %swap3A_417 = vector.shape_cast %swap3A_416 : vector<1x16xf32> to vector<16xf32>
      %swap3A_418 = vector.shape_cast %add3A_413 : vector<16xf32> to vector<1x16xf32>
      tpu.vector_store %arg10[%swap3A_414, %swap3A_415], %swap3A_418 {strides = array<i32>} : memref<128x64xf32, #tpu.memory_space<vmem>>, vector<1x16xf32>,
    }
    %scan3A_113 = arith.constant 128 : i32
    %add3A_114 = arith.constant 0 : i32
    %add3A_115 = arith.addi %mul3A_2, %add3A_114 : i32
    "tpu.region"() ({
      %run_scoped3A = tpu.sem_alloc : memref<!tpu.dma_semaphore, #tpu.memory_space<semaphore_mem>>
      %dma_start3A_320 = arith.constant 0 : i32
      %dma_start3A_321 = tpu.memref_slice %arg5[%add3A_115, %dma_start3A_320] : memref<16384x64xf32, #tpu.memory_space<hbm>> -> memref<128x64xf32, #tpu.memory_space<hbm>>
      %dma_start3A_322 = arith.constant 0 : i32
      %dma_start3A_323 = tpu.memref_slice %arg5[%add3A_115, %dma_start3A_322] : memref<16384x64xf32, #tpu.memory_space<hbm>> -> memref<128x64xf32, #tpu.memory_space<hbm>>
      tpu.enqueue_dma source(%arg10 : memref<128x64xf32, #tpu.memory_space<vmem>>) target(%dma_start3A_323 : memref<128x64xf32, #tpu.memory_space<hbm>>) target_semaphore(%run_scoped3A : memref<!tpu.dma_semaphore, #tpu.memory_space<semaphore_mem>>)
      %dma_wait3A_324 = arith.constant 0 : i32
      %dma_wait3A_325 = tpu.memref_slice %arg5[%add3A_115, %dma_wait3A_324] : memref<16384x64xf32, #tpu.memory_space<hbm>> -> memref<128x64xf32, #tpu.memory_space<hbm>>
      %dma_wait3A_326 = arith.constant 0 : i32
      %dma_wait3A_327 = tpu.memref_slice %arg5[%add3A_115, %dma_wait3A_326] : memref<16384x64xf32, #tpu.memory_space<hbm>> -> memref<128x64xf32, #tpu.memory_space<hbm>>
      tpu.wait_dma2 semaphore(%run_scoped3A : memref<!tpu.dma_semaphore, #tpu.memory_space<semaphore_mem>>) src(%arg10 : memref<128x64xf32, #tpu.memory_space<vmem>>) dst(%dma_wait3A_327 : memref<128x64xf32, #tpu.memory_space<hbm>>)
      tpu.yield
    }) : () -> ()
    %dma_start3A_116 = arith.constant 0 : i32
    %dma_start3A_117 = arith.constant 0 : i32
    %dma_start3A_118 = arith.constant 0 : i32
    %dma_start3A_119 = arith.constant 0 : i32
    %dma_start3A_120 = tpu.memref_slice %arg7[%dma_start3A_117, %dma_start3A_118, %dma_start3A_119] : memref<2x128x128xf32, #tpu.memory_space<vmem>> -> memref<1x128x128xf32, #tpu.memory_space<vmem>>
    %dma_start3A_121 = tpu.memref_squeeze %dma_start3A_120 : memref<1x128x128xf32, #tpu.memory_space<vmem>> -> memref<128x128xf32, #tpu.memory_space<vmem>>
    %dma_start3A_122 = arith.constant 256 : i32
    %dma_start3A_123 = tpu.memref_slice %arg6[%dma_start3A_116, %dma_start3A_122] : memref<3x512xi32, #tpu.memory_space<vmem>> -> memref<1x128xi32, #tpu.memory_space<vmem>>
    %dma_start3A_124 = tpu.memref_squeeze %dma_start3A_123 : memref<1x128xi32, #tpu.memory_space<vmem>> -> memref<128xi32, #tpu.memory_space<vmem>>
    %dma_start3A_125 = arith.constant 0 : i32
    %dma_start3A_126 = arith.constant 0 : i32
    %dma_start3A_127 = tpu.memref_slice %arg2[%dma_start3A_125, %dma_start3A_126] : memref<100000x128xf32, #tpu.memory_space<hbm>> -> memref<100000x128xf32, #tpu.memory_space<hbm>>
    tpu.enqueue_indirect_dma source(%dma_start3A_127 : memref<100000x128xf32, #tpu.memory_space<hbm>>) target(%dma_start3A_121 : memref<128x128xf32, #tpu.memory_space<vmem>>) offsets(%dma_start3A_124 : memref<128xi32, #tpu.memory_space<vmem>>) semaphore(%arg11 : memref<!tpu.dma_semaphore, #tpu.memory_space<semaphore_mem>>)
    %dma_start3A_128 = arith.constant 1 : i32
    %dma_start3A_129 = arith.constant 0 : i32
    %dma_start3A_130 = arith.constant 0 : i32
    %dma_start3A_131 = arith.constant 0 : i32
    %dma_start3A_132 = tpu.memref_slice %arg8[%dma_start3A_129, %dma_start3A_130, %dma_start3A_131] : memref<2x128x128xf32, #tpu.memory_space<vmem>> -> memref<1x128x128xf32, #tpu.memory_space<vmem>>
    %dma_start3A_133 = tpu.memref_squeeze %dma_start3A_132 : memref<1x128x128xf32, #tpu.memory_space<vmem>> -> memref<128x128xf32, #tpu.memory_space<vmem>>
    %dma_start3A_134 = arith.constant 256 : i32
    %dma_start3A_135 = tpu.memref_slice %arg6[%dma_start3A_128, %dma_start3A_134] : memref<3x512xi32, #tpu.memory_space<vmem>> -> memref<1x128xi32, #tpu.memory_space<vmem>>
    %dma_start3A_136 = tpu.memref_squeeze %dma_start3A_135 : memref<1x128xi32, #tpu.memory_space<vmem>> -> memref<128xi32, #tpu.memory_space<vmem>>
    %dma_start3A_137 = arith.constant 0 : i32
    %dma_start3A_138 = arith.constant 0 : i32
    %dma_start3A_139 = tpu.memref_slice %arg3[%dma_start3A_137, %dma_start3A_138] : memref<100000x128xf32, #tpu.memory_space<hbm>> -> memref<100000x128xf32, #tpu.memory_space<hbm>>
    tpu.enqueue_indirect_dma source(%dma_start3A_139 : memref<100000x128xf32, #tpu.memory_space<hbm>>) target(%dma_start3A_133 : memref<128x128xf32, #tpu.memory_space<vmem>>) offsets(%dma_start3A_136 : memref<128xi32, #tpu.memory_space<vmem>>) semaphore(%arg11 : memref<!tpu.dma_semaphore, #tpu.memory_space<semaphore_mem>>)
    %dma_start3A_140 = arith.constant 2 : i32
    %dma_start3A_141 = arith.constant 0 : i32
    %dma_start3A_142 = arith.constant 0 : i32
    %dma_start3A_143 = arith.constant 0 : i32
    %dma_start3A_144 = tpu.memref_slice %arg9[%dma_start3A_141, %dma_start3A_142, %dma_start3A_143] : memref<2x128x128xf32, #tpu.memory_space<vmem>> -> memref<1x128x128xf32, #tpu.memory_space<vmem>>
    %dma_start3A_145 = tpu.memref_squeeze %dma_start3A_144 : memref<1x128x128xf32, #tpu.memory_space<vmem>> -> memref<128x128xf32, #tpu.memory_space<vmem>>
    %dma_start3A_146 = arith.constant 256 : i32
    %dma_start3A_147 = tpu.memref_slice %arg6[%dma_start3A_140, %dma_start3A_146] : memref<3x512xi32, #tpu.memory_space<vmem>> -> memref<1x128xi32, #tpu.memory_space<vmem>>
    %dma_start3A_148 = tpu.memref_squeeze %dma_start3A_147 : memref<1x128xi32, #tpu.memory_space<vmem>> -> memref<128xi32, #tpu.memory_space<vmem>>
    %dma_start3A_149 = arith.constant 0 : i32
    %dma_start3A_150 = arith.constant 0 : i32
    %dma_start3A_151 = tpu.memref_slice %arg2[%dma_start3A_149, %dma_start3A_150] : memref<100000x128xf32, #tpu.memory_space<hbm>> -> memref<100000x128xf32, #tpu.memory_space<hbm>>
    tpu.enqueue_indirect_dma source(%dma_start3A_151 : memref<100000x128xf32, #tpu.memory_space<hbm>>) target(%dma_start3A_145 : memref<128x128xf32, #tpu.memory_space<vmem>>) offsets(%dma_start3A_148 : memref<128xi32, #tpu.memory_space<vmem>>) semaphore(%arg11 : memref<!tpu.dma_semaphore, #tpu.memory_space<semaphore_mem>>)
    %dma_wait3A_152 = arith.constant 0 : i32
    %dma_wait3A_153 = arith.constant 1 : i32
    %dma_wait3A_154 = arith.constant 0 : i32
    %dma_wait3A_155 = arith.constant 0 : i32
    %dma_wait3A_156 = tpu.memref_slice %arg7[%dma_wait3A_153, %dma_wait3A_154, %dma_wait3A_155] : memref<2x128x128xf32, #tpu.memory_space<vmem>> -> memref<1x128x128xf32, #tpu.memory_space<vmem>>
    %dma_wait3A_157 = tpu.memref_squeeze %dma_wait3A_156 : memref<1x128x128xf32, #tpu.memory_space<vmem>> -> memref<128x128xf32, #tpu.memory_space<vmem>>
    %dma_wait3A_158 = arith.constant 128 : i32
    %dma_wait3A_159 = tpu.memref_slice %arg6[%dma_wait3A_152, %dma_wait3A_158] : memref<3x512xi32, #tpu.memory_space<vmem>> -> memref<1x128xi32, #tpu.memory_space<vmem>>
    %dma_wait3A_160 = tpu.memref_squeeze %dma_wait3A_159 : memref<1x128xi32, #tpu.memory_space<vmem>> -> memref<128xi32, #tpu.memory_space<vmem>>
    %dma_wait3A_161 = arith.constant 0 : i32
    %dma_wait3A_162 = arith.constant 0 : i32
    %dma_wait3A_163 = tpu.memref_slice %arg2[%dma_wait3A_161, %dma_wait3A_162] : memref<100000x128xf32, #tpu.memory_space<hbm>> -> memref<100000x128xf32, #tpu.memory_space<hbm>>
    tpu.wait_indirect_dma semaphore(%arg11 : memref<!tpu.dma_semaphore, #tpu.memory_space<semaphore_mem>>) src(%dma_wait3A_163 : memref<100000x128xf32, #tpu.memory_space<hbm>>) dst(%dma_wait3A_157 : memref<128x128xf32, #tpu.memory_space<vmem>>)
    %dma_wait3A_164 = arith.constant 1 : i32
    %dma_wait3A_165 = arith.constant 1 : i32
    %dma_wait3A_166 = arith.constant 0 : i32
    %dma_wait3A_167 = arith.constant 0 : i32
    %dma_wait3A_168 = tpu.memref_slice %arg8[%dma_wait3A_165, %dma_wait3A_166, %dma_wait3A_167] : memref<2x128x128xf32, #tpu.memory_space<vmem>> -> memref<1x128x128xf32, #tpu.memory_space<vmem>>
    %dma_wait3A_169 = tpu.memref_squeeze %dma_wait3A_168 : memref<1x128x128xf32, #tpu.memory_space<vmem>> -> memref<128x128xf32, #tpu.memory_space<vmem>>
    %dma_wait3A_170 = arith.constant 128 : i32
    %dma_wait3A_171 = tpu.memref_slice %arg6[%dma_wait3A_164, %dma_wait3A_170] : memref<3x512xi32, #tpu.memory_space<vmem>> -> memref<1x128xi32, #tpu.memory_space<vmem>>
    %dma_wait3A_172 = tpu.memref_squeeze %dma_wait3A_171 : memref<1x128xi32, #tpu.memory_space<vmem>> -> memref<128xi32, #tpu.memory_space<vmem>>
    %dma_wait3A_173 = arith.constant 0 : i32
    %dma_wait3A_174 = arith.constant 0 : i32
    %dma_wait3A_175 = tpu.memref_slice %arg3[%dma_wait3A_173, %dma_wait3A_174] : memref<100000x128xf32, #tpu.memory_space<hbm>> -> memref<100000x128xf32, #tpu.memory_space<hbm>>
    tpu.wait_indirect_dma semaphore(%arg11 : memref<!tpu.dma_semaphore, #tpu.memory_space<semaphore_mem>>) src(%dma_wait3A_175 : memref<100000x128xf32, #tpu.memory_space<hbm>>) dst(%dma_wait3A_169 : memref<128x128xf32, #tpu.memory_space<vmem>>)
    %dma_wait3A_176 = arith.constant 2 : i32
    %dma_wait3A_177 = arith.constant 1 : i32
    %dma_wait3A_178 = arith.constant 0 : i32
    %dma_wait3A_179 = arith.constant 0 : i32
    %dma_wait3A_180 = tpu.memref_slice %arg9[%dma_wait3A_177, %dma_wait3A_178, %dma_wait3A_179] : memref<2x128x128xf32, #tpu.memory_space<vmem>> -> memref<1x128x128xf32, #tpu.memory_space<vmem>>
    %dma_wait3A_181 = tpu.memref_squeeze %dma_wait3A_180 : memref<1x128x128xf32, #tpu.memory_space<vmem>> -> memref<128x128xf32, #tpu.memory_space<vmem>>
    %dma_wait3A_182 = arith.constant 128 : i32
    %dma_wait3A_183 = tpu.memref_slice %arg6[%dma_wait3A_176, %dma_wait3A_182] : memref<3x512xi32, #tpu.memory_space<vmem>> -> memref<1x128xi32, #tpu.memory_space<vmem>>
    %dma_wait3A_184 = tpu.memref_squeeze %dma_wait3A_183 : memref<1x128xi32, #tpu.memory_space<vmem>> -> memref<128xi32, #tpu.memory_space<vmem>>
    %dma_wait3A_185 = arith.constant 0 : i32
    %dma_wait3A_186 = arith.constant 0 : i32
    %dma_wait3A_187 = tpu.memref_slice %arg2[%dma_wait3A_185, %dma_wait3A_186] : memref<100000x128xf32, #tpu.memory_space<hbm>> -> memref<100000x128xf32, #tpu.memory_space<hbm>>
    tpu.wait_indirect_dma semaphore(%arg11 : memref<!tpu.dma_semaphore, #tpu.memory_space<semaphore_mem>>) src(%dma_wait3A_187 : memref<100000x128xf32, #tpu.memory_space<hbm>>) dst(%dma_wait3A_181 : memref<128x128xf32, #tpu.memory_space<vmem>>)
    %scan3A_188 = arith.constant 0 : i32
    %scan3A_189 = arith.constant 0 : i32
    %scan3A_190 = arith.constant 128 : i32
    %scan3A_191 = arith.addi %scan3A_189, %scan3A_190 : i32
    %scan3A_192 = arith.constant 1 : i32
    scf.for %scan3A_320 = %scan3A_189 to %scan3A_191 step %scan3A_192  : i32 {
      %get3A = arith.constant 1 : i32
      %get3A_321 = arith.index_cast %get3A : i32 to index
      %get3A_322 = arith.index_cast %scan3A_320 : i32 to index
      %get3A_323 = arith.constant 0 : index
      %get3A_324 = tpu.vector_load %arg7[%get3A_321, %get3A_322, %get3A_323] {strides = array<i32>} : memref<2x128x128xf32, #tpu.memory_space<vmem>>, vector<1x1x16xf32>,
      %get3A_325 = vector.shape_cast %get3A_324 : vector<1x1x16xf32> to vector<16xf32>
      %get3A_326 = arith.constant 1 : i32
      %get3A_327 = arith.index_cast %get3A_326 : i32 to index
      %get3A_328 = arith.index_cast %scan3A_320 : i32 to index
      %get3A_329 = arith.constant 0 : index
      %get3A_330 = tpu.vector_load %arg8[%get3A_327, %get3A_328, %get3A_329] {strides = array<i32>} : memref<2x128x128xf32, #tpu.memory_space<vmem>>, vector<1x1x16xf32>,
      %get3A_331 = vector.shape_cast %get3A_330 : vector<1x1x16xf32> to vector<16xf32>
      %add3A_332 = arith.addf %get3A_325, %get3A_331 : vector<16xf32>
      %get3A_333 = arith.constant 1 : i32
      %get3A_334 = arith.index_cast %get3A_333 : i32 to index
      %get3A_335 = arith.index_cast %scan3A_320 : i32 to index
      %get3A_336 = arith.constant 64 : index
      %get3A_337 = tpu.vector_load %arg9[%get3A_334, %get3A_335, %get3A_336] {strides = array<i32>} : memref<2x128x128xf32, #tpu.memory_space<vmem>>, vector<1x1x16xf32>,
      %get3A_338 = vector.shape_cast %get3A_337 : vector<1x1x16xf32> to vector<16xf32>
      %add3A_339 = arith.addf %add3A_332, %get3A_338 : vector<16xf32>
      %swap3A = arith.index_cast %scan3A_320 : i32 to index
      %swap3A_340 = arith.constant 0 : index
      %swap3A_341 = tpu.vector_load %arg10[%swap3A, %swap3A_340] {strides = array<i32>} : memref<128x64xf32, #tpu.memory_space<vmem>>, vector<1x16xf32>,
      %swap3A_342 = vector.shape_cast %swap3A_341 : vector<1x16xf32> to vector<16xf32>
      %swap3A_343 = vector.shape_cast %add3A_339 : vector<16xf32> to vector<1x16xf32>
      tpu.vector_store %arg10[%swap3A, %swap3A_340], %swap3A_343 {strides = array<i32>} : memref<128x64xf32, #tpu.memory_space<vmem>>, vector<1x16xf32>,
      %get3A_344 = arith.constant 1 : i32
      %get3A_345 = arith.index_cast %get3A_344 : i32 to index
      %get3A_346 = arith.index_cast %scan3A_320 : i32 to index
      %get3A_347 = arith.constant 16 : index
      %get3A_348 = tpu.vector_load %arg7[%get3A_345, %get3A_346, %get3A_347] {strides = array<i32>} : memref<2x128x128xf32, #tpu.memory_space<vmem>>, vector<1x1x16xf32>,
      %get3A_349 = vector.shape_cast %get3A_348 : vector<1x1x16xf32> to vector<16xf32>
      %get3A_350 = arith.constant 1 : i32
      %get3A_351 = arith.index_cast %get3A_350 : i32 to index
      %get3A_352 = arith.index_cast %scan3A_320 : i32 to index
      %get3A_353 = arith.constant 16 : index
      %get3A_354 = tpu.vector_load %arg8[%get3A_351, %get3A_352, %get3A_353] {strides = array<i32>} : memref<2x128x128xf32, #tpu.memory_space<vmem>>, vector<1x1x16xf32>,
      %get3A_355 = vector.shape_cast %get3A_354 : vector<1x1x16xf32> to vector<16xf32>
      %add3A_356 = arith.addf %get3A_349, %get3A_355 : vector<16xf32>
      %get3A_357 = arith.constant 1 : i32
      %get3A_358 = arith.index_cast %get3A_357 : i32 to index
      %get3A_359 = arith.index_cast %scan3A_320 : i32 to index
      %get3A_360 = arith.constant 80 : index
      %get3A_361 = tpu.vector_load %arg9[%get3A_358, %get3A_359, %get3A_360] {strides = array<i32>} : memref<2x128x128xf32, #tpu.memory_space<vmem>>, vector<1x1x16xf32>,
      %get3A_362 = vector.shape_cast %get3A_361 : vector<1x1x16xf32> to vector<16xf32>
      %add3A_363 = arith.addf %add3A_356, %get3A_362 : vector<16xf32>
      %swap3A_364 = arith.index_cast %scan3A_320 : i32 to index
      %swap3A_365 = arith.constant 16 : index
      %swap3A_366 = tpu.vector_load %arg10[%swap3A_364, %swap3A_365] {strides = array<i32>} : memref<128x64xf32, #tpu.memory_space<vmem>>, vector<1x16xf32>,
      %swap3A_367 = vector.shape_cast %swap3A_366 : vector<1x16xf32> to vector<16xf32>
      %swap3A_368 = vector.shape_cast %add3A_363 : vector<16xf32> to vector<1x16xf32>
      tpu.vector_store %arg10[%swap3A_364, %swap3A_365], %swap3A_368 {strides = array<i32>} : memref<128x64xf32, #tpu.memory_space<vmem>>, vector<1x16xf32>,
      %get3A_369 = arith.constant 1 : i32
      %get3A_370 = arith.index_cast %get3A_369 : i32 to index
      %get3A_371 = arith.index_cast %scan3A_320 : i32 to index
      %get3A_372 = arith.constant 32 : index
      %get3A_373 = tpu.vector_load %arg7[%get3A_370, %get3A_371, %get3A_372] {strides = array<i32>} : memref<2x128x128xf32, #tpu.memory_space<vmem>>, vector<1x1x16xf32>,
      %get3A_374 = vector.shape_cast %get3A_373 : vector<1x1x16xf32> to vector<16xf32>
      %get3A_375 = arith.constant 1 : i32
      %get3A_376 = arith.index_cast %get3A_375 : i32 to index
      %get3A_377 = arith.index_cast %scan3A_320 : i32 to index
      %get3A_378 = arith.constant 32 : index
      %get3A_379 = tpu.vector_load %arg8[%get3A_376, %get3A_377, %get3A_378] {strides = array<i32>} : memref<2x128x128xf32, #tpu.memory_space<vmem>>, vector<1x1x16xf32>,
      %get3A_380 = vector.shape_cast %get3A_379 : vector<1x1x16xf32> to vector<16xf32>
      %add3A_381 = arith.addf %get3A_374, %get3A_380 : vector<16xf32>
      %get3A_382 = arith.constant 1 : i32
      %get3A_383 = arith.index_cast %get3A_382 : i32 to index
      %get3A_384 = arith.index_cast %scan3A_320 : i32 to index
      %get3A_385 = arith.constant 96 : index
      %get3A_386 = tpu.vector_load %arg9[%get3A_383, %get3A_384, %get3A_385] {strides = array<i32>} : memref<2x128x128xf32, #tpu.memory_space<vmem>>, vector<1x1x16xf32>,
      %get3A_387 = vector.shape_cast %get3A_386 : vector<1x1x16xf32> to vector<16xf32>
      %add3A_388 = arith.addf %add3A_381, %get3A_387 : vector<16xf32>
      %swap3A_389 = arith.index_cast %scan3A_320 : i32 to index
      %swap3A_390 = arith.constant 32 : index
      %swap3A_391 = tpu.vector_load %arg10[%swap3A_389, %swap3A_390] {strides = array<i32>} : memref<128x64xf32, #tpu.memory_space<vmem>>, vector<1x16xf32>,
      %swap3A_392 = vector.shape_cast %swap3A_391 : vector<1x16xf32> to vector<16xf32>
      %swap3A_393 = vector.shape_cast %add3A_388 : vector<16xf32> to vector<1x16xf32>
      tpu.vector_store %arg10[%swap3A_389, %swap3A_390], %swap3A_393 {strides = array<i32>} : memref<128x64xf32, #tpu.memory_space<vmem>>, vector<1x16xf32>,
      %get3A_394 = arith.constant 1 : i32
      %get3A_395 = arith.index_cast %get3A_394 : i32 to index
      %get3A_396 = arith.index_cast %scan3A_320 : i32 to index
      %get3A_397 = arith.constant 48 : index
      %get3A_398 = tpu.vector_load %arg7[%get3A_395, %get3A_396, %get3A_397] {strides = array<i32>} : memref<2x128x128xf32, #tpu.memory_space<vmem>>, vector<1x1x16xf32>,
      %get3A_399 = vector.shape_cast %get3A_398 : vector<1x1x16xf32> to vector<16xf32>
      %get3A_400 = arith.constant 1 : i32
      %get3A_401 = arith.index_cast %get3A_400 : i32 to index
      %get3A_402 = arith.index_cast %scan3A_320 : i32 to index
      %get3A_403 = arith.constant 48 : index
      %get3A_404 = tpu.vector_load %arg8[%get3A_401, %get3A_402, %get3A_403] {strides = array<i32>} : memref<2x128x128xf32, #tpu.memory_space<vmem>>, vector<1x1x16xf32>,
      %get3A_405 = vector.shape_cast %get3A_404 : vector<1x1x16xf32> to vector<16xf32>
      %add3A_406 = arith.addf %get3A_399, %get3A_405 : vector<16xf32>
      %get3A_407 = arith.constant 1 : i32
      %get3A_408 = arith.index_cast %get3A_407 : i32 to index
      %get3A_409 = arith.index_cast %scan3A_320 : i32 to index
      %get3A_410 = arith.constant 112 : index
      %get3A_411 = tpu.vector_load %arg9[%get3A_408, %get3A_409, %get3A_410] {strides = array<i32>} : memref<2x128x128xf32, #tpu.memory_space<vmem>>, vector<1x1x16xf32>,
      %get3A_412 = vector.shape_cast %get3A_411 : vector<1x1x16xf32> to vector<16xf32>
      %add3A_413 = arith.addf %add3A_406, %get3A_412 : vector<16xf32>
      %swap3A_414 = arith.index_cast %scan3A_320 : i32 to index
      %swap3A_415 = arith.constant 48 : index
      %swap3A_416 = tpu.vector_load %arg10[%swap3A_414, %swap3A_415] {strides = array<i32>} : memref<128x64xf32, #tpu.memory_space<vmem>>, vector<1x16xf32>,
      %swap3A_417 = vector.shape_cast %swap3A_416 : vector<1x16xf32> to vector<16xf32>
      %swap3A_418 = vector.shape_cast %add3A_413 : vector<16xf32> to vector<1x16xf32>
      tpu.vector_store %arg10[%swap3A_414, %swap3A_415], %swap3A_418 {strides = array<i32>} : memref<128x64xf32, #tpu.memory_space<vmem>>, vector<1x16xf32>,
    }
    %scan3A_193 = arith.constant 128 : i32
    %add3A_194 = arith.constant 128 : i32
    %add3A_195 = arith.addi %mul3A_2, %add3A_194 : i32
    "tpu.region"() ({
      %run_scoped3A = tpu.sem_alloc : memref<!tpu.dma_semaphore, #tpu.memory_space<semaphore_mem>>
      %dma_start3A_320 = arith.constant 0 : i32
      %dma_start3A_321 = tpu.memref_slice %arg5[%add3A_195, %dma_start3A_320] : memref<16384x64xf32, #tpu.memory_space<hbm>> -> memref<128x64xf32, #tpu.memory_space<hbm>>
      %dma_start3A_322 = arith.constant 0 : i32
      %dma_start3A_323 = tpu.memref_slice %arg5[%add3A_195, %dma_start3A_322] : memref<16384x64xf32, #tpu.memory_space<hbm>> -> memref<128x64xf32, #tpu.memory_space<hbm>>
      tpu.enqueue_dma source(%arg10 : memref<128x64xf32, #tpu.memory_space<vmem>>) target(%dma_start3A_323 : memref<128x64xf32, #tpu.memory_space<hbm>>) target_semaphore(%run_scoped3A : memref<!tpu.dma_semaphore, #tpu.memory_space<semaphore_mem>>)
      %dma_wait3A_324 = arith.constant 0 : i32
      %dma_wait3A_325 = tpu.memref_slice %arg5[%add3A_195, %dma_wait3A_324] : memref<16384x64xf32, #tpu.memory_space<hbm>> -> memref<128x64xf32, #tpu.memory_space<hbm>>
      %dma_wait3A_326 = arith.constant 0 : i32
      %dma_wait3A_327 = tpu.memref_slice %arg5[%add3A_195, %dma_wait3A_326] : memref<16384x64xf32, #tpu.memory_space<hbm>> -> memref<128x64xf32, #tpu.memory_space<hbm>>
      tpu.wait_dma2 semaphore(%run_scoped3A : memref<!tpu.dma_semaphore, #tpu.memory_space<semaphore_mem>>) src(%arg10 : memref<128x64xf32, #tpu.memory_space<vmem>>) dst(%dma_wait3A_327 : memref<128x64xf32, #tpu.memory_space<hbm>>)
      tpu.yield
    }) : () -> ()
    %dma_start3A_196 = arith.constant 0 : i32
    %dma_start3A_197 = arith.constant 1 : i32
    %dma_start3A_198 = arith.constant 0 : i32
    %dma_start3A_199 = arith.constant 0 : i32
    %dma_start3A_200 = tpu.memref_slice %arg7[%dma_start3A_197, %dma_start3A_198, %dma_start3A_199] : memref<2x128x128xf32, #tpu.memory_space<vmem>> -> memref<1x128x128xf32, #tpu.memory_space<vmem>>
    %dma_start3A_201 = tpu.memref_squeeze %dma_start3A_200 : memref<1x128x128xf32, #tpu.memory_space<vmem>> -> memref<128x128xf32, #tpu.memory_space<vmem>>
    %dma_start3A_202 = arith.constant 384 : i32
    %dma_start3A_203 = tpu.memref_slice %arg6[%dma_start3A_196, %dma_start3A_202] : memref<3x512xi32, #tpu.memory_space<vmem>> -> memref<1x128xi32, #tpu.memory_space<vmem>>
    %dma_start3A_204 = tpu.memref_squeeze %dma_start3A_203 : memref<1x128xi32, #tpu.memory_space<vmem>> -> memref<128xi32, #tpu.memory_space<vmem>>
    %dma_start3A_205 = arith.constant 0 : i32
    %dma_start3A_206 = arith.constant 0 : i32
    %dma_start3A_207 = tpu.memref_slice %arg2[%dma_start3A_205, %dma_start3A_206] : memref<100000x128xf32, #tpu.memory_space<hbm>> -> memref<100000x128xf32, #tpu.memory_space<hbm>>
    tpu.enqueue_indirect_dma source(%dma_start3A_207 : memref<100000x128xf32, #tpu.memory_space<hbm>>) target(%dma_start3A_201 : memref<128x128xf32, #tpu.memory_space<vmem>>) offsets(%dma_start3A_204 : memref<128xi32, #tpu.memory_space<vmem>>) semaphore(%arg11 : memref<!tpu.dma_semaphore, #tpu.memory_space<semaphore_mem>>)
    %dma_start3A_208 = arith.constant 1 : i32
    %dma_start3A_209 = arith.constant 1 : i32
    %dma_start3A_210 = arith.constant 0 : i32
    %dma_start3A_211 = arith.constant 0 : i32
    %dma_start3A_212 = tpu.memref_slice %arg8[%dma_start3A_209, %dma_start3A_210, %dma_start3A_211] : memref<2x128x128xf32, #tpu.memory_space<vmem>> -> memref<1x128x128xf32, #tpu.memory_space<vmem>>
    %dma_start3A_213 = tpu.memref_squeeze %dma_start3A_212 : memref<1x128x128xf32, #tpu.memory_space<vmem>> -> memref<128x128xf32, #tpu.memory_space<vmem>>
    %dma_start3A_214 = arith.constant 384 : i32
    %dma_start3A_215 = tpu.memref_slice %arg6[%dma_start3A_208, %dma_start3A_214] : memref<3x512xi32, #tpu.memory_space<vmem>> -> memref<1x128xi32, #tpu.memory_space<vmem>>
    %dma_start3A_216 = tpu.memref_squeeze %dma_start3A_215 : memref<1x128xi32, #tpu.memory_space<vmem>> -> memref<128xi32, #tpu.memory_space<vmem>>
    %dma_start3A_217 = arith.constant 0 : i32
    %dma_start3A_218 = arith.constant 0 : i32
    %dma_start3A_219 = tpu.memref_slice %arg3[%dma_start3A_217, %dma_start3A_218] : memref<100000x128xf32, #tpu.memory_space<hbm>> -> memref<100000x128xf32, #tpu.memory_space<hbm>>
    tpu.enqueue_indirect_dma source(%dma_start3A_219 : memref<100000x128xf32, #tpu.memory_space<hbm>>) target(%dma_start3A_213 : memref<128x128xf32, #tpu.memory_space<vmem>>) offsets(%dma_start3A_216 : memref<128xi32, #tpu.memory_space<vmem>>) semaphore(%arg11 : memref<!tpu.dma_semaphore, #tpu.memory_space<semaphore_mem>>)
    %dma_start3A_220 = arith.constant 2 : i32
    %dma_start3A_221 = arith.constant 1 : i32
    %dma_start3A_222 = arith.constant 0 : i32
    %dma_start3A_223 = arith.constant 0 : i32
    %dma_start3A_224 = tpu.memref_slice %arg9[%dma_start3A_221, %dma_start3A_222, %dma_start3A_223] : memref<2x128x128xf32, #tpu.memory_space<vmem>> -> memref<1x128x128xf32, #tpu.memory_space<vmem>>
    %dma_start3A_225 = tpu.memref_squeeze %dma_start3A_224 : memref<1x128x128xf32, #tpu.memory_space<vmem>> -> memref<128x128xf32, #tpu.memory_space<vmem>>
    %dma_start3A_226 = arith.constant 384 : i32
    %dma_start3A_227 = tpu.memref_slice %arg6[%dma_start3A_220, %dma_start3A_226] : memref<3x512xi32, #tpu.memory_space<vmem>> -> memref<1x128xi32, #tpu.memory_space<vmem>>
    %dma_start3A_228 = tpu.memref_squeeze %dma_start3A_227 : memref<1x128xi32, #tpu.memory_space<vmem>> -> memref<128xi32, #tpu.memory_space<vmem>>
    %dma_start3A_229 = arith.constant 0 : i32
    %dma_start3A_230 = arith.constant 0 : i32
    %dma_start3A_231 = tpu.memref_slice %arg2[%dma_start3A_229, %dma_start3A_230] : memref<100000x128xf32, #tpu.memory_space<hbm>> -> memref<100000x128xf32, #tpu.memory_space<hbm>>
    tpu.enqueue_indirect_dma source(%dma_start3A_231 : memref<100000x128xf32, #tpu.memory_space<hbm>>) target(%dma_start3A_225 : memref<128x128xf32, #tpu.memory_space<vmem>>) offsets(%dma_start3A_228 : memref<128xi32, #tpu.memory_space<vmem>>) semaphore(%arg11 : memref<!tpu.dma_semaphore, #tpu.memory_space<semaphore_mem>>)
    %dma_wait3A_232 = arith.constant 0 : i32
    %dma_wait3A_233 = arith.constant 0 : i32
    %dma_wait3A_234 = arith.constant 0 : i32
    %dma_wait3A_235 = arith.constant 0 : i32
    %dma_wait3A_236 = tpu.memref_slice %arg7[%dma_wait3A_233, %dma_wait3A_234, %dma_wait3A_235] : memref<2x128x128xf32, #tpu.memory_space<vmem>> -> memref<1x128x128xf32, #tpu.memory_space<vmem>>
    %dma_wait3A_237 = tpu.memref_squeeze %dma_wait3A_236 : memref<1x128x128xf32, #tpu.memory_space<vmem>> -> memref<128x128xf32, #tpu.memory_space<vmem>>
    %dma_wait3A_238 = arith.constant 256 : i32
    %dma_wait3A_239 = tpu.memref_slice %arg6[%dma_wait3A_232, %dma_wait3A_238] : memref<3x512xi32, #tpu.memory_space<vmem>> -> memref<1x128xi32, #tpu.memory_space<vmem>>
    %dma_wait3A_240 = tpu.memref_squeeze %dma_wait3A_239 : memref<1x128xi32, #tpu.memory_space<vmem>> -> memref<128xi32, #tpu.memory_space<vmem>>
    %dma_wait3A_241 = arith.constant 0 : i32
    %dma_wait3A_242 = arith.constant 0 : i32
    %dma_wait3A_243 = tpu.memref_slice %arg2[%dma_wait3A_241, %dma_wait3A_242] : memref<100000x128xf32, #tpu.memory_space<hbm>> -> memref<100000x128xf32, #tpu.memory_space<hbm>>
    tpu.wait_indirect_dma semaphore(%arg11 : memref<!tpu.dma_semaphore, #tpu.memory_space<semaphore_mem>>) src(%dma_wait3A_243 : memref<100000x128xf32, #tpu.memory_space<hbm>>) dst(%dma_wait3A_237 : memref<128x128xf32, #tpu.memory_space<vmem>>)
    %dma_wait3A_244 = arith.constant 1 : i32
    %dma_wait3A_245 = arith.constant 0 : i32
    %dma_wait3A_246 = arith.constant 0 : i32
    %dma_wait3A_247 = arith.constant 0 : i32
    %dma_wait3A_248 = tpu.memref_slice %arg8[%dma_wait3A_245, %dma_wait3A_246, %dma_wait3A_247] : memref<2x128x128xf32, #tpu.memory_space<vmem>> -> memref<1x128x128xf32, #tpu.memory_space<vmem>>
    %dma_wait3A_249 = tpu.memref_squeeze %dma_wait3A_248 : memref<1x128x128xf32, #tpu.memory_space<vmem>> -> memref<128x128xf32, #tpu.memory_space<vmem>>
    %dma_wait3A_250 = arith.constant 256 : i32
    %dma_wait3A_251 = tpu.memref_slice %arg6[%dma_wait3A_244, %dma_wait3A_250] : memref<3x512xi32, #tpu.memory_space<vmem>> -> memref<1x128xi32, #tpu.memory_space<vmem>>
    %dma_wait3A_252 = tpu.memref_squeeze %dma_wait3A_251 : memref<1x128xi32, #tpu.memory_space<vmem>> -> memref<128xi32, #tpu.memory_space<vmem>>
    %dma_wait3A_253 = arith.constant 0 : i32
    %dma_wait3A_254 = arith.constant 0 : i32
    %dma_wait3A_255 = tpu.memref_slice %arg3[%dma_wait3A_253, %dma_wait3A_254] : memref<100000x128xf32, #tpu.memory_space<hbm>> -> memref<100000x128xf32, #tpu.memory_space<hbm>>
    tpu.wait_indirect_dma semaphore(%arg11 : memref<!tpu.dma_semaphore, #tpu.memory_space<semaphore_mem>>) src(%dma_wait3A_255 : memref<100000x128xf32, #tpu.memory_space<hbm>>) dst(%dma_wait3A_249 : memref<128x128xf32, #tpu.memory_space<vmem>>)
    %dma_wait3A_256 = arith.constant 2 : i32
    %dma_wait3A_257 = arith.constant 0 : i32
    %dma_wait3A_258 = arith.constant 0 : i32
    %dma_wait3A_259 = arith.constant 0 : i32
    %dma_wait3A_260 = tpu.memref_slice %arg9[%dma_wait3A_257, %dma_wait3A_258, %dma_wait3A_259] : memref<2x128x128xf32, #tpu.memory_space<vmem>> -> memref<1x128x128xf32, #tpu.memory_space<vmem>>
    %dma_wait3A_261 = tpu.memref_squeeze %dma_wait3A_260 : memref<1x128x128xf32, #tpu.memory_space<vmem>> -> memref<128x128xf32, #tpu.memory_space<vmem>>
    %dma_wait3A_262 = arith.constant 256 : i32
    %dma_wait3A_263 = tpu.memref_slice %arg6[%dma_wait3A_256, %dma_wait3A_262] : memref<3x512xi32, #tpu.memory_space<vmem>> -> memref<1x128xi32, #tpu.memory_space<vmem>>
    %dma_wait3A_264 = tpu.memref_squeeze %dma_wait3A_263 : memref<1x128xi32, #tpu.memory_space<vmem>> -> memref<128xi32, #tpu.memory_space<vmem>>
    %dma_wait3A_265 = arith.constant 0 : i32
    %dma_wait3A_266 = arith.constant 0 : i32
    %dma_wait3A_267 = tpu.memref_slice %arg2[%dma_wait3A_265, %dma_wait3A_266] : memref<100000x128xf32, #tpu.memory_space<hbm>> -> memref<100000x128xf32, #tpu.memory_space<hbm>>
    tpu.wait_indirect_dma semaphore(%arg11 : memref<!tpu.dma_semaphore, #tpu.memory_space<semaphore_mem>>) src(%dma_wait3A_267 : memref<100000x128xf32, #tpu.memory_space<hbm>>) dst(%dma_wait3A_261 : memref<128x128xf32, #tpu.memory_space<vmem>>)
    %scan3A_268 = arith.constant 0 : i32
    %scan3A_269 = arith.constant 0 : i32
    %scan3A_270 = arith.constant 128 : i32
    %scan3A_271 = arith.addi %scan3A_269, %scan3A_270 : i32
    %scan3A_272 = arith.constant 1 : i32
    scf.for %scan3A_320 = %scan3A_269 to %scan3A_271 step %scan3A_272  : i32 {
      %get3A = arith.constant 0 : i32
      %get3A_321 = arith.index_cast %get3A : i32 to index
      %get3A_322 = arith.index_cast %scan3A_320 : i32 to index
      %get3A_323 = arith.constant 0 : index
      %get3A_324 = tpu.vector_load %arg7[%get3A_321, %get3A_322, %get3A_323] {strides = array<i32>} : memref<2x128x128xf32, #tpu.memory_space<vmem>>, vector<1x1x16xf32>,
      %get3A_325 = vector.shape_cast %get3A_324 : vector<1x1x16xf32> to vector<16xf32>
      %get3A_326 = arith.constant 0 : i32
      %get3A_327 = arith.index_cast %get3A_326 : i32 to index
      %get3A_328 = arith.index_cast %scan3A_320 : i32 to index
      %get3A_329 = arith.constant 0 : index
      %get3A_330 = tpu.vector_load %arg8[%get3A_327, %get3A_328, %get3A_329] {strides = array<i32>} : memref<2x128x128xf32, #tpu.memory_space<vmem>>, vector<1x1x16xf32>,
      %get3A_331 = vector.shape_cast %get3A_330 : vector<1x1x16xf32> to vector<16xf32>
      %add3A_332 = arith.addf %get3A_325, %get3A_331 : vector<16xf32>
      %get3A_333 = arith.constant 0 : i32
      %get3A_334 = arith.index_cast %get3A_333 : i32 to index
      %get3A_335 = arith.index_cast %scan3A_320 : i32 to index
      %get3A_336 = arith.constant 64 : index
      %get3A_337 = tpu.vector_load %arg9[%get3A_334, %get3A_335, %get3A_336] {strides = array<i32>} : memref<2x128x128xf32, #tpu.memory_space<vmem>>, vector<1x1x16xf32>,
      %get3A_338 = vector.shape_cast %get3A_337 : vector<1x1x16xf32> to vector<16xf32>
      %add3A_339 = arith.addf %add3A_332, %get3A_338 : vector<16xf32>
      %swap3A = arith.index_cast %scan3A_320 : i32 to index
      %swap3A_340 = arith.constant 0 : index
      %swap3A_341 = tpu.vector_load %arg10[%swap3A, %swap3A_340] {strides = array<i32>} : memref<128x64xf32, #tpu.memory_space<vmem>>, vector<1x16xf32>,
      %swap3A_342 = vector.shape_cast %swap3A_341 : vector<1x16xf32> to vector<16xf32>
      %swap3A_343 = vector.shape_cast %add3A_339 : vector<16xf32> to vector<1x16xf32>
      tpu.vector_store %arg10[%swap3A, %swap3A_340], %swap3A_343 {strides = array<i32>} : memref<128x64xf32, #tpu.memory_space<vmem>>, vector<1x16xf32>,
      %get3A_344 = arith.constant 0 : i32
      %get3A_345 = arith.index_cast %get3A_344 : i32 to index
      %get3A_346 = arith.index_cast %scan3A_320 : i32 to index
      %get3A_347 = arith.constant 16 : index
      %get3A_348 = tpu.vector_load %arg7[%get3A_345, %get3A_346, %get3A_347] {strides = array<i32>} : memref<2x128x128xf32, #tpu.memory_space<vmem>>, vector<1x1x16xf32>,
      %get3A_349 = vector.shape_cast %get3A_348 : vector<1x1x16xf32> to vector<16xf32>
      %get3A_350 = arith.constant 0 : i32
      %get3A_351 = arith.index_cast %get3A_350 : i32 to index
      %get3A_352 = arith.index_cast %scan3A_320 : i32 to index
      %get3A_353 = arith.constant 16 : index
      %get3A_354 = tpu.vector_load %arg8[%get3A_351, %get3A_352, %get3A_353] {strides = array<i32>} : memref<2x128x128xf32, #tpu.memory_space<vmem>>, vector<1x1x16xf32>,
      %get3A_355 = vector.shape_cast %get3A_354 : vector<1x1x16xf32> to vector<16xf32>
      %add3A_356 = arith.addf %get3A_349, %get3A_355 : vector<16xf32>
      %get3A_357 = arith.constant 0 : i32
      %get3A_358 = arith.index_cast %get3A_357 : i32 to index
      %get3A_359 = arith.index_cast %scan3A_320 : i32 to index
      %get3A_360 = arith.constant 80 : index
      %get3A_361 = tpu.vector_load %arg9[%get3A_358, %get3A_359, %get3A_360] {strides = array<i32>} : memref<2x128x128xf32, #tpu.memory_space<vmem>>, vector<1x1x16xf32>,
      %get3A_362 = vector.shape_cast %get3A_361 : vector<1x1x16xf32> to vector<16xf32>
      %add3A_363 = arith.addf %add3A_356, %get3A_362 : vector<16xf32>
      %swap3A_364 = arith.index_cast %scan3A_320 : i32 to index
      %swap3A_365 = arith.constant 16 : index
      %swap3A_366 = tpu.vector_load %arg10[%swap3A_364, %swap3A_365] {strides = array<i32>} : memref<128x64xf32, #tpu.memory_space<vmem>>, vector<1x16xf32>,
      %swap3A_367 = vector.shape_cast %swap3A_366 : vector<1x16xf32> to vector<16xf32>
      %swap3A_368 = vector.shape_cast %add3A_363 : vector<16xf32> to vector<1x16xf32>
      tpu.vector_store %arg10[%swap3A_364, %swap3A_365], %swap3A_368 {strides = array<i32>} : memref<128x64xf32, #tpu.memory_space<vmem>>, vector<1x16xf32>,
      %get3A_369 = arith.constant 0 : i32
      %get3A_370 = arith.index_cast %get3A_369 : i32 to index
      %get3A_371 = arith.index_cast %scan3A_320 : i32 to index
      %get3A_372 = arith.constant 32 : index
      %get3A_373 = tpu.vector_load %arg7[%get3A_370, %get3A_371, %get3A_372] {strides = array<i32>} : memref<2x128x128xf32, #tpu.memory_space<vmem>>, vector<1x1x16xf32>,
      %get3A_374 = vector.shape_cast %get3A_373 : vector<1x1x16xf32> to vector<16xf32>
      %get3A_375 = arith.constant 0 : i32
      %get3A_376 = arith.index_cast %get3A_375 : i32 to index
      %get3A_377 = arith.index_cast %scan3A_320 : i32 to index
      %get3A_378 = arith.constant 32 : index
      %get3A_379 = tpu.vector_load %arg8[%get3A_376, %get3A_377, %get3A_378] {strides = array<i32>} : memref<2x128x128xf32, #tpu.memory_space<vmem>>, vector<1x1x16xf32>,
      %get3A_380 = vector.shape_cast %get3A_379 : vector<1x1x16xf32> to vector<16xf32>
      %add3A_381 = arith.addf %get3A_374, %get3A_380 : vector<16xf32>
      %get3A_382 = arith.constant 0 : i32
      %get3A_383 = arith.index_cast %get3A_382 : i32 to index
      %get3A_384 = arith.index_cast %scan3A_320 : i32 to index
      %get3A_385 = arith.constant 96 : index
      %get3A_386 = tpu.vector_load %arg9[%get3A_383, %get3A_384, %get3A_385] {strides = array<i32>} : memref<2x128x128xf32, #tpu.memory_space<vmem>>, vector<1x1x16xf32>,
      %get3A_387 = vector.shape_cast %get3A_386 : vector<1x1x16xf32> to vector<16xf32>
      %add3A_388 = arith.addf %add3A_381, %get3A_387 : vector<16xf32>
      %swap3A_389 = arith.index_cast %scan3A_320 : i32 to index
      %swap3A_390 = arith.constant 32 : index
      %swap3A_391 = tpu.vector_load %arg10[%swap3A_389, %swap3A_390] {strides = array<i32>} : memref<128x64xf32, #tpu.memory_space<vmem>>, vector<1x16xf32>,
      %swap3A_392 = vector.shape_cast %swap3A_391 : vector<1x16xf32> to vector<16xf32>
      %swap3A_393 = vector.shape_cast %add3A_388 : vector<16xf32> to vector<1x16xf32>
      tpu.vector_store %arg10[%swap3A_389, %swap3A_390], %swap3A_393 {strides = array<i32>} : memref<128x64xf32, #tpu.memory_space<vmem>>, vector<1x16xf32>,
      %get3A_394 = arith.constant 0 : i32
      %get3A_395 = arith.index_cast %get3A_394 : i32 to index
      %get3A_396 = arith.index_cast %scan3A_320 : i32 to index
      %get3A_397 = arith.constant 48 : index
      %get3A_398 = tpu.vector_load %arg7[%get3A_395, %get3A_396, %get3A_397] {strides = array<i32>} : memref<2x128x128xf32, #tpu.memory_space<vmem>>, vector<1x1x16xf32>,
      %get3A_399 = vector.shape_cast %get3A_398 : vector<1x1x16xf32> to vector<16xf32>
      %get3A_400 = arith.constant 0 : i32
      %get3A_401 = arith.index_cast %get3A_400 : i32 to index
      %get3A_402 = arith.index_cast %scan3A_320 : i32 to index
      %get3A_403 = arith.constant 48 : index
      %get3A_404 = tpu.vector_load %arg8[%get3A_401, %get3A_402, %get3A_403] {strides = array<i32>} : memref<2x128x128xf32, #tpu.memory_space<vmem>>, vector<1x1x16xf32>,
      %get3A_405 = vector.shape_cast %get3A_404 : vector<1x1x16xf32> to vector<16xf32>
      %add3A_406 = arith.addf %get3A_399, %get3A_405 : vector<16xf32>
      %get3A_407 = arith.constant 0 : i32
      %get3A_408 = arith.index_cast %get3A_407 : i32 to index
      %get3A_409 = arith.index_cast %scan3A_320 : i32 to index
      %get3A_410 = arith.constant 112 : index
      %get3A_411 = tpu.vector_load %arg9[%get3A_408, %get3A_409, %get3A_410] {strides = array<i32>} : memref<2x128x128xf32, #tpu.memory_space<vmem>>, vector<1x1x16xf32>,
      %get3A_412 = vector.shape_cast %get3A_411 : vector<1x1x16xf32> to vector<16xf32>
      %add3A_413 = arith.addf %add3A_406, %get3A_412 : vector<16xf32>
      %swap3A_414 = arith.index_cast %scan3A_320 : i32 to index
      %swap3A_415 = arith.constant 48 : index
      %swap3A_416 = tpu.vector_load %arg10[%swap3A_414, %swap3A_415] {strides = array<i32>} : memref<128x64xf32, #tpu.memory_space<vmem>>, vector<1x16xf32>,
      %swap3A_417 = vector.shape_cast %swap3A_416 : vector<1x16xf32> to vector<16xf32>
      %swap3A_418 = vector.shape_cast %add3A_413 : vector<16xf32> to vector<1x16xf32>
      tpu.vector_store %arg10[%swap3A_414, %swap3A_415], %swap3A_418 {strides = array<i32>} : memref<128x64xf32, #tpu.memory_space<vmem>>, vector<1x16xf32>,
    }
    %scan3A_273 = arith.constant 128 : i32
    %add3A_274 = arith.constant 256 : i32
    %add3A_275 = arith.addi %mul3A_2, %add3A_274 : i32
    "tpu.region"() ({
      %run_scoped3A = tpu.sem_alloc : memref<!tpu.dma_semaphore, #tpu.memory_space<semaphore_mem>>
      %dma_start3A_320 = arith.constant 0 : i32
      %dma_start3A_321 = tpu.memref_slice %arg5[%add3A_275, %dma_start3A_320] : memref<16384x64xf32, #tpu.memory_space<hbm>> -> memref<128x64xf32, #tpu.memory_space<hbm>>
      %dma_start3A_322 = arith.constant 0 : i32
      %dma_start3A_323 = tpu.memref_slice %arg5[%add3A_275, %dma_start3A_322] : memref<16384x64xf32, #tpu.memory_space<hbm>> -> memref<128x64xf32, #tpu.memory_space<hbm>>
      tpu.enqueue_dma source(%arg10 : memref<128x64xf32, #tpu.memory_space<vmem>>) target(%dma_start3A_323 : memref<128x64xf32, #tpu.memory_space<hbm>>) target_semaphore(%run_scoped3A : memref<!tpu.dma_semaphore, #tpu.memory_space<semaphore_mem>>)
      %dma_wait3A_324 = arith.constant 0 : i32
      %dma_wait3A_325 = tpu.memref_slice %arg5[%add3A_275, %dma_wait3A_324] : memref<16384x64xf32, #tpu.memory_space<hbm>> -> memref<128x64xf32, #tpu.memory_space<hbm>>
      %dma_wait3A_326 = arith.constant 0 : i32
      %dma_wait3A_327 = tpu.memref_slice %arg5[%add3A_275, %dma_wait3A_326] : memref<16384x64xf32, #tpu.memory_space<hbm>> -> memref<128x64xf32, #tpu.memory_space<hbm>>
      tpu.wait_dma2 semaphore(%run_scoped3A : memref<!tpu.dma_semaphore, #tpu.memory_space<semaphore_mem>>) src(%arg10 : memref<128x64xf32, #tpu.memory_space<vmem>>) dst(%dma_wait3A_327 : memref<128x64xf32, #tpu.memory_space<hbm>>)
      tpu.yield
    }) : () -> ()
    %dma_wait3A_276 = arith.constant 0 : i32
    %dma_wait3A_277 = arith.constant 1 : i32
    %dma_wait3A_278 = arith.constant 0 : i32
    %dma_wait3A_279 = arith.constant 0 : i32
    %dma_wait3A_280 = tpu.memref_slice %arg7[%dma_wait3A_277, %dma_wait3A_278, %dma_wait3A_279] : memref<2x128x128xf32, #tpu.memory_space<vmem>> -> memref<1x128x128xf32, #tpu.memory_space<vmem>>
    %dma_wait3A_281 = tpu.memref_squeeze %dma_wait3A_280 : memref<1x128x128xf32, #tpu.memory_space<vmem>> -> memref<128x128xf32, #tpu.memory_space<vmem>>
    %dma_wait3A_282 = arith.constant 384 : i32
    %dma_wait3A_283 = tpu.memref_slice %arg6[%dma_wait3A_276, %dma_wait3A_282] : memref<3x512xi32, #tpu.memory_space<vmem>> -> memref<1x128xi32, #tpu.memory_space<vmem>>
    %dma_wait3A_284 = tpu.memref_squeeze %dma_wait3A_283 : memref<1x128xi32, #tpu.memory_space<vmem>> -> memref<128xi32, #tpu.memory_space<vmem>>
    %dma_wait3A_285 = arith.constant 0 : i32
    %dma_wait3A_286 = arith.constant 0 : i32
    %dma_wait3A_287 = tpu.memref_slice %arg2[%dma_wait3A_285, %dma_wait3A_286] : memref<100000x128xf32, #tpu.memory_space<hbm>> -> memref<100000x128xf32, #tpu.memory_space<hbm>>
    tpu.wait_indirect_dma semaphore(%arg11 : memref<!tpu.dma_semaphore, #tpu.memory_space<semaphore_mem>>) src(%dma_wait3A_287 : memref<100000x128xf32, #tpu.memory_space<hbm>>) dst(%dma_wait3A_281 : memref<128x128xf32, #tpu.memory_space<vmem>>)
    %dma_wait3A_288 = arith.constant 1 : i32
    %dma_wait3A_289 = arith.constant 1 : i32
    %dma_wait3A_290 = arith.constant 0 : i32
    %dma_wait3A_291 = arith.constant 0 : i32
    %dma_wait3A_292 = tpu.memref_slice %arg8[%dma_wait3A_289, %dma_wait3A_290, %dma_wait3A_291] : memref<2x128x128xf32, #tpu.memory_space<vmem>> -> memref<1x128x128xf32, #tpu.memory_space<vmem>>
    %dma_wait3A_293 = tpu.memref_squeeze %dma_wait3A_292 : memref<1x128x128xf32, #tpu.memory_space<vmem>> -> memref<128x128xf32, #tpu.memory_space<vmem>>
    %dma_wait3A_294 = arith.constant 384 : i32
    %dma_wait3A_295 = tpu.memref_slice %arg6[%dma_wait3A_288, %dma_wait3A_294] : memref<3x512xi32, #tpu.memory_space<vmem>> -> memref<1x128xi32, #tpu.memory_space<vmem>>
    %dma_wait3A_296 = tpu.memref_squeeze %dma_wait3A_295 : memref<1x128xi32, #tpu.memory_space<vmem>> -> memref<128xi32, #tpu.memory_space<vmem>>
    %dma_wait3A_297 = arith.constant 0 : i32
    %dma_wait3A_298 = arith.constant 0 : i32
    %dma_wait3A_299 = tpu.memref_slice %arg3[%dma_wait3A_297, %dma_wait3A_298] : memref<100000x128xf32, #tpu.memory_space<hbm>> -> memref<100000x128xf32, #tpu.memory_space<hbm>>
    tpu.wait_indirect_dma semaphore(%arg11 : memref<!tpu.dma_semaphore, #tpu.memory_space<semaphore_mem>>) src(%dma_wait3A_299 : memref<100000x128xf32, #tpu.memory_space<hbm>>) dst(%dma_wait3A_293 : memref<128x128xf32, #tpu.memory_space<vmem>>)
    %dma_wait3A_300 = arith.constant 2 : i32
    %dma_wait3A_301 = arith.constant 1 : i32
    %dma_wait3A_302 = arith.constant 0 : i32
    %dma_wait3A_303 = arith.constant 0 : i32
    %dma_wait3A_304 = tpu.memref_slice %arg9[%dma_wait3A_301, %dma_wait3A_302, %dma_wait3A_303] : memref<2x128x128xf32, #tpu.memory_space<vmem>> -> memref<1x128x128xf32, #tpu.memory_space<vmem>>
    %dma_wait3A_305 = tpu.memref_squeeze %dma_wait3A_304 : memref<1x128x128xf32, #tpu.memory_space<vmem>> -> memref<128x128xf32, #tpu.memory_space<vmem>>
    %dma_wait3A_306 = arith.constant 384 : i32
    %dma_wait3A_307 = tpu.memref_slice %arg6[%dma_wait3A_300, %dma_wait3A_306] : memref<3x512xi32, #tpu.memory_space<vmem>> -> memref<1x128xi32, #tpu.memory_space<vmem>>
    %dma_wait3A_308 = tpu.memref_squeeze %dma_wait3A_307 : memref<1x128xi32, #tpu.memory_space<vmem>> -> memref<128xi32, #tpu.memory_space<vmem>>
    %dma_wait3A_309 = arith.constant 0 : i32
    %dma_wait3A_310 = arith.constant 0 : i32
    %dma_wait3A_311 = tpu.memref_slice %arg2[%dma_wait3A_309, %dma_wait3A_310] : memref<100000x128xf32, #tpu.memory_space<hbm>> -> memref<100000x128xf32, #tpu.memory_space<hbm>>
    tpu.wait_indirect_dma semaphore(%arg11 : memref<!tpu.dma_semaphore, #tpu.memory_space<semaphore_mem>>) src(%dma_wait3A_311 : memref<100000x128xf32, #tpu.memory_space<hbm>>) dst(%dma_wait3A_305 : memref<128x128xf32, #tpu.memory_space<vmem>>)
    %scan3A_312 = arith.constant 0 : i32
    %scan3A_313 = arith.constant 0 : i32
    %scan3A_314 = arith.constant 128 : i32
    %scan3A_315 = arith.addi %scan3A_313, %scan3A_314 : i32
    %scan3A_316 = arith.constant 1 : i32
    scf.for %scan3A_320 = %scan3A_313 to %scan3A_315 step %scan3A_316  : i32 {
      %get3A = arith.constant 1 : i32
      %get3A_321 = arith.index_cast %get3A : i32 to index
      %get3A_322 = arith.index_cast %scan3A_320 : i32 to index
      %get3A_323 = arith.constant 0 : index
      %get3A_324 = tpu.vector_load %arg7[%get3A_321, %get3A_322, %get3A_323] {strides = array<i32>} : memref<2x128x128xf32, #tpu.memory_space<vmem>>, vector<1x1x16xf32>,
      %get3A_325 = vector.shape_cast %get3A_324 : vector<1x1x16xf32> to vector<16xf32>
      %get3A_326 = arith.constant 1 : i32
      %get3A_327 = arith.index_cast %get3A_326 : i32 to index
      %get3A_328 = arith.index_cast %scan3A_320 : i32 to index
      %get3A_329 = arith.constant 0 : index
      %get3A_330 = tpu.vector_load %arg8[%get3A_327, %get3A_328, %get3A_329] {strides = array<i32>} : memref<2x128x128xf32, #tpu.memory_space<vmem>>, vector<1x1x16xf32>,
      %get3A_331 = vector.shape_cast %get3A_330 : vector<1x1x16xf32> to vector<16xf32>
      %add3A_332 = arith.addf %get3A_325, %get3A_331 : vector<16xf32>
      %get3A_333 = arith.constant 1 : i32
      %get3A_334 = arith.index_cast %get3A_333 : i32 to index
      %get3A_335 = arith.index_cast %scan3A_320 : i32 to index
      %get3A_336 = arith.constant 64 : index
      %get3A_337 = tpu.vector_load %arg9[%get3A_334, %get3A_335, %get3A_336] {strides = array<i32>} : memref<2x128x128xf32, #tpu.memory_space<vmem>>, vector<1x1x16xf32>,
      %get3A_338 = vector.shape_cast %get3A_337 : vector<1x1x16xf32> to vector<16xf32>
      %add3A_339 = arith.addf %add3A_332, %get3A_338 : vector<16xf32>
      %swap3A = arith.index_cast %scan3A_320 : i32 to index
      %swap3A_340 = arith.constant 0 : index
      %swap3A_341 = tpu.vector_load %arg10[%swap3A, %swap3A_340] {strides = array<i32>} : memref<128x64xf32, #tpu.memory_space<vmem>>, vector<1x16xf32>,
      %swap3A_342 = vector.shape_cast %swap3A_341 : vector<1x16xf32> to vector<16xf32>
      %swap3A_343 = vector.shape_cast %add3A_339 : vector<16xf32> to vector<1x16xf32>
      tpu.vector_store %arg10[%swap3A, %swap3A_340], %swap3A_343 {strides = array<i32>} : memref<128x64xf32, #tpu.memory_space<vmem>>, vector<1x16xf32>,
      %get3A_344 = arith.constant 1 : i32
      %get3A_345 = arith.index_cast %get3A_344 : i32 to index
      %get3A_346 = arith.index_cast %scan3A_320 : i32 to index
      %get3A_347 = arith.constant 16 : index
      %get3A_348 = tpu.vector_load %arg7[%get3A_345, %get3A_346, %get3A_347] {strides = array<i32>} : memref<2x128x128xf32, #tpu.memory_space<vmem>>, vector<1x1x16xf32>,
      %get3A_349 = vector.shape_cast %get3A_348 : vector<1x1x16xf32> to vector<16xf32>
      %get3A_350 = arith.constant 1 : i32
      %get3A_351 = arith.index_cast %get3A_350 : i32 to index
      %get3A_352 = arith.index_cast %scan3A_320 : i32 to index
      %get3A_353 = arith.constant 16 : index
      %get3A_354 = tpu.vector_load %arg8[%get3A_351, %get3A_352, %get3A_353] {strides = array<i32>} : memref<2x128x128xf32, #tpu.memory_space<vmem>>, vector<1x1x16xf32>,
      %get3A_355 = vector.shape_cast %get3A_354 : vector<1x1x16xf32> to vector<16xf32>
      %add3A_356 = arith.addf %get3A_349, %get3A_355 : vector<16xf32>
      %get3A_357 = arith.constant 1 : i32
      %get3A_358 = arith.index_cast %get3A_357 : i32 to index
      %get3A_359 = arith.index_cast %scan3A_320 : i32 to index
      %get3A_360 = arith.constant 80 : index
      %get3A_361 = tpu.vector_load %arg9[%get3A_358, %get3A_359, %get3A_360] {strides = array<i32>} : memref<2x128x128xf32, #tpu.memory_space<vmem>>, vector<1x1x16xf32>,
      %get3A_362 = vector.shape_cast %get3A_361 : vector<1x1x16xf32> to vector<16xf32>
      %add3A_363 = arith.addf %add3A_356, %get3A_362 : vector<16xf32>
      %swap3A_364 = arith.index_cast %scan3A_320 : i32 to index
      %swap3A_365 = arith.constant 16 : index
      %swap3A_366 = tpu.vector_load %arg10[%swap3A_364, %swap3A_365] {strides = array<i32>} : memref<128x64xf32, #tpu.memory_space<vmem>>, vector<1x16xf32>,
      %swap3A_367 = vector.shape_cast %swap3A_366 : vector<1x16xf32> to vector<16xf32>
      %swap3A_368 = vector.shape_cast %add3A_363 : vector<16xf32> to vector<1x16xf32>
      tpu.vector_store %arg10[%swap3A_364, %swap3A_365], %swap3A_368 {strides = array<i32>} : memref<128x64xf32, #tpu.memory_space<vmem>>, vector<1x16xf32>,
      %get3A_369 = arith.constant 1 : i32
      %get3A_370 = arith.index_cast %get3A_369 : i32 to index
      %get3A_371 = arith.index_cast %scan3A_320 : i32 to index
      %get3A_372 = arith.constant 32 : index
      %get3A_373 = tpu.vector_load %arg7[%get3A_370, %get3A_371, %get3A_372] {strides = array<i32>} : memref<2x128x128xf32, #tpu.memory_space<vmem>>, vector<1x1x16xf32>,
      %get3A_374 = vector.shape_cast %get3A_373 : vector<1x1x16xf32> to vector<16xf32>
      %get3A_375 = arith.constant 1 : i32
      %get3A_376 = arith.index_cast %get3A_375 : i32 to index
      %get3A_377 = arith.index_cast %scan3A_320 : i32 to index
      %get3A_378 = arith.constant 32 : index
      %get3A_379 = tpu.vector_load %arg8[%get3A_376, %get3A_377, %get3A_378] {strides = array<i32>} : memref<2x128x128xf32, #tpu.memory_space<vmem>>, vector<1x1x16xf32>,
      %get3A_380 = vector.shape_cast %get3A_379 : vector<1x1x16xf32> to vector<16xf32>
      %add3A_381 = arith.addf %get3A_374, %get3A_380 : vector<16xf32>
      %get3A_382 = arith.constant 1 : i32
      %get3A_383 = arith.index_cast %get3A_382 : i32 to index
      %get3A_384 = arith.index_cast %scan3A_320 : i32 to index
      %get3A_385 = arith.constant 96 : index
      %get3A_386 = tpu.vector_load %arg9[%get3A_383, %get3A_384, %get3A_385] {strides = array<i32>} : memref<2x128x128xf32, #tpu.memory_space<vmem>>, vector<1x1x16xf32>,
      %get3A_387 = vector.shape_cast %get3A_386 : vector<1x1x16xf32> to vector<16xf32>
      %add3A_388 = arith.addf %add3A_381, %get3A_387 : vector<16xf32>
      %swap3A_389 = arith.index_cast %scan3A_320 : i32 to index
      %swap3A_390 = arith.constant 32 : index
      %swap3A_391 = tpu.vector_load %arg10[%swap3A_389, %swap3A_390] {strides = array<i32>} : memref<128x64xf32, #tpu.memory_space<vmem>>, vector<1x16xf32>,
      %swap3A_392 = vector.shape_cast %swap3A_391 : vector<1x16xf32> to vector<16xf32>
      %swap3A_393 = vector.shape_cast %add3A_388 : vector<16xf32> to vector<1x16xf32>
      tpu.vector_store %arg10[%swap3A_389, %swap3A_390], %swap3A_393 {strides = array<i32>} : memref<128x64xf32, #tpu.memory_space<vmem>>, vector<1x16xf32>,
      %get3A_394 = arith.constant 1 : i32
      %get3A_395 = arith.index_cast %get3A_394 : i32 to index
      %get3A_396 = arith.index_cast %scan3A_320 : i32 to index
      %get3A_397 = arith.constant 48 : index
      %get3A_398 = tpu.vector_load %arg7[%get3A_395, %get3A_396, %get3A_397] {strides = array<i32>} : memref<2x128x128xf32, #tpu.memory_space<vmem>>, vector<1x1x16xf32>,
      %get3A_399 = vector.shape_cast %get3A_398 : vector<1x1x16xf32> to vector<16xf32>
      %get3A_400 = arith.constant 1 : i32
      %get3A_401 = arith.index_cast %get3A_400 : i32 to index
      %get3A_402 = arith.index_cast %scan3A_320 : i32 to index
      %get3A_403 = arith.constant 48 : index
      %get3A_404 = tpu.vector_load %arg8[%get3A_401, %get3A_402, %get3A_403] {strides = array<i32>} : memref<2x128x128xf32, #tpu.memory_space<vmem>>, vector<1x1x16xf32>,
      %get3A_405 = vector.shape_cast %get3A_404 : vector<1x1x16xf32> to vector<16xf32>
      %add3A_406 = arith.addf %get3A_399, %get3A_405 : vector<16xf32>
      %get3A_407 = arith.constant 1 : i32
      %get3A_408 = arith.index_cast %get3A_407 : i32 to index
      %get3A_409 = arith.index_cast %scan3A_320 : i32 to index
      %get3A_410 = arith.constant 112 : index
      %get3A_411 = tpu.vector_load %arg9[%get3A_408, %get3A_409, %get3A_410] {strides = array<i32>} : memref<2x128x128xf32, #tpu.memory_space<vmem>>, vector<1x1x16xf32>,
      %get3A_412 = vector.shape_cast %get3A_411 : vector<1x1x16xf32> to vector<16xf32>
      %add3A_413 = arith.addf %add3A_406, %get3A_412 : vector<16xf32>
      %swap3A_414 = arith.index_cast %scan3A_320 : i32 to index
      %swap3A_415 = arith.constant 48 : index
      %swap3A_416 = tpu.vector_load %arg10[%swap3A_414, %swap3A_415] {strides = array<i32>} : memref<128x64xf32, #tpu.memory_space<vmem>>, vector<1x16xf32>,
      %swap3A_417 = vector.shape_cast %swap3A_416 : vector<1x16xf32> to vector<16xf32>
      %swap3A_418 = vector.shape_cast %add3A_413 : vector<16xf32> to vector<1x16xf32>
      tpu.vector_store %arg10[%swap3A_414, %swap3A_415], %swap3A_418 {strides = array<i32>} : memref<128x64xf32, #tpu.memory_space<vmem>>, vector<1x16xf32>,
    }
    %scan3A_317 = arith.constant 128 : i32
    %add3A_318 = arith.constant 384 : i32
    %add3A_319 = arith.addi %mul3A_2, %add3A_318 : i32
    "tpu.region"() ({
      %run_scoped3A = tpu.sem_alloc : memref<!tpu.dma_semaphore, #tpu.memory_space<semaphore_mem>>
      %dma_start3A_320 = arith.constant 0 : i32
      %dma_start3A_321 = tpu.memref_slice %arg5[%add3A_319, %dma_start3A_320] : memref<16384x64xf32, #tpu.memory_space<hbm>> -> memref<128x64xf32, #tpu.memory_space<hbm>>
      %dma_start3A_322 = arith.constant 0 : i32
      %dma_start3A_323 = tpu.memref_slice %arg5[%add3A_319, %dma_start3A_322] : memref<16384x64xf32, #tpu.memory_space<hbm>> -> memref<128x64xf32, #tpu.memory_space<hbm>>
      tpu.enqueue_dma source(%arg10 : memref<128x64xf32, #tpu.memory_space<vmem>>) target(%dma_start3A_323 : memref<128x64xf32, #tpu.memory_space<hbm>>) target_semaphore(%run_scoped3A : memref<!tpu.dma_semaphore, #tpu.memory_space<semaphore_mem>>)
      %dma_wait3A_324 = arith.constant 0 : i32
      %dma_wait3A_325 = tpu.memref_slice %arg5[%add3A_319, %dma_wait3A_324] : memref<16384x64xf32, #tpu.memory_space<hbm>> -> memref<128x64xf32, #tpu.memory_space<hbm>>
      %dma_wait3A_326 = arith.constant 0 : i32
      %dma_wait3A_327 = tpu.memref_slice %arg5[%add3A_319, %dma_wait3A_326] : memref<16384x64xf32, #tpu.memory_space<hbm>> -> memref<128x64xf32, #tpu.memory_space<hbm>>
      tpu.wait_dma2 semaphore(%run_scoped3A : memref<!tpu.dma_semaphore, #tpu.memory_space<semaphore_mem>>) src(%arg10 : memref<128x64xf32, #tpu.memory_space<vmem>>) dst(%dma_wait3A_327 : memref<128x64xf32, #tpu.memory_space<hbm>>)
      tpu.yield
    }) : () -> ()
    return
  }
}

module attributes {stable_mosaic.version = 14 : i64} {
  func.func @_stage_body(%arg0: i32, %arg1: memref<64x8192xf32, #tpu.memory_space<vmem>>, %arg2: memref<64x8192xf32, #tpu.memory_space<vmem>>, %arg3: memref<64x192xf32, #tpu.memory_space<vmem>>, %arg4: memref<1x64xf32, #tpu.memory_space<vmem>>, %arg5: memref<8192x128xf32, #tpu.memory_space<vmem>>, %arg6: memref<8192x128xf32, #tpu.memory_space<vmem>>) attributes {dimension_semantics = [#tpu.dimension_semantics<arbitrary>], iteration_bounds = array<i64: 13>, scalar_prefetch = 0 : i64, scratch_operands = 0 : i64, tpu.core_type = #tpu.core_type<tc>, window_params = [{transform_indices = @transform_0, window_bounds = array<i64: 64, 8192>}, {transform_indices = @transform_1, window_bounds = array<i64: 64, 8192>}, {pipeline_mode = #tpu.pipeline_mode<synchronous>, transform_indices = @transform_2, window_bounds = array<i64: 64, 192>}, {pipeline_mode = #tpu.pipeline_mode<synchronous>, transform_indices = @transform_3, window_bounds = array<i64: 1, 64>}, {transform_indices = @transform_4, window_bounds = array<i64: 8192, 128>}, {transform_indices = @transform_5, window_bounds = array<i64: 8192, 128>}]} {
    %get3A = arith.constant 0 : index
    %get3A_0 = arith.constant 0 : index
    %get3A_1 = vector.load %arg1[%get3A, %get3A_0] : memref<64x8192xf32, #tpu.memory_space<vmem>>, vector<64x8192xf32>
    %transpose3A = tpu.transpose %get3A_1, [1, 0] : vector<64x8192xf32> -> vector<8192x64xf32>
    %get3A_2 = arith.constant 0 : index
    %get3A_3 = arith.constant 0 : index
    %get3A_4 = vector.load %arg2[%get3A_2, %get3A_3] : memref<64x8192xf32, #tpu.memory_space<vmem>>, vector<64x8192xf32>
    %transpose3A_5 = tpu.transpose %get3A_4, [1, 0] : vector<64x8192xf32> -> vector<8192x64xf32>
    %get3A_6 = arith.constant 0 : index
    %get3A_7 = arith.constant 0 : index
    %get3A_8 = vector.load %arg3[%get3A_6, %get3A_7] : memref<64x192xf32, #tpu.memory_space<vmem>>, vector<64x64xf32>
    %dot_general3A = arith.constant dense<0.000000e+00> : vector<8192x64xf32>
    %dot_general3A_9 = tpu.matmul %transpose3A, %get3A_8, %dot_general3A {dimension_numbers = #tpu.dot_dimension_numbers<[1], [1], [0], [0], [0, 0, 1, 0], [], []>, transpose_lhs_hint = false} : vector<8192x64xf32>, vector<64x64xf32>, vector<8192x64xf32> -> vector<8192x64xf32>
    %get3A_10 = arith.constant 0 : index
    %get3A_11 = arith.constant 128 : index
    %get3A_12 = vector.load %arg3[%get3A_10, %get3A_11] : memref<64x192xf32, #tpu.memory_space<vmem>>, vector<64x64xf32>
    %dot_general3A_13 = arith.constant dense<0.000000e+00> : vector<8192x64xf32>
    %dot_general3A_14 = tpu.matmul %transpose3A, %get3A_12, %dot_general3A_13 {dimension_numbers = #tpu.dot_dimension_numbers<[1], [1], [0], [0], [0, 0, 1, 0], [], []>, transpose_lhs_hint = false} : vector<8192x64xf32>, vector<64x64xf32>, vector<8192x64xf32> -> vector<8192x64xf32>
    %get3A_15 = arith.constant 0 : index
    %get3A_16 = arith.constant 64 : index
    %get3A_17 = vector.load %arg3[%get3A_15, %get3A_16] : memref<64x192xf32, #tpu.memory_space<vmem>>, vector<64x64xf32>
    %dot_general3A_18 = arith.constant dense<0.000000e+00> : vector<8192x64xf32>
    %dot_general3A_19 = tpu.matmul %transpose3A_5, %get3A_17, %dot_general3A_18 {dimension_numbers = #tpu.dot_dimension_numbers<[1], [1], [0], [0], [0, 0, 1, 0], [], []>, transpose_lhs_hint = false} : vector<8192x64xf32>, vector<64x64xf32>, vector<8192x64xf32> -> vector<8192x64xf32>
    %swap3A = arith.constant 0 : index
    %swap3A_20 = arith.constant 0 : index
    %swap3A_21 = vector.load %arg5[%swap3A, %swap3A_20] : memref<8192x128xf32, #tpu.memory_space<vmem>>, vector<8192x64xf32>
    tpu.vector_store %arg5[%swap3A, %swap3A_20], %dot_general3A_9 {strides = array<i32>} : memref<8192x128xf32, #tpu.memory_space<vmem>>, vector<8192x64xf32>,
    %swap3A_22 = arith.constant 0 : index
    %swap3A_23 = arith.constant 64 : index
    %swap3A_24 = vector.load %arg5[%swap3A_22, %swap3A_23] : memref<8192x128xf32, #tpu.memory_space<vmem>>, vector<8192x64xf32>
    tpu.vector_store %arg5[%swap3A_22, %swap3A_23], %dot_general3A_14 {strides = array<i32>} : memref<8192x128xf32, #tpu.memory_space<vmem>>, vector<8192x64xf32>,
    %get3A_25 = arith.constant 0 : index
    %get3A_26 = arith.constant 0 : index
    %get3A_27 = vector.load %arg4[%get3A_25, %get3A_26] : memref<1x64xf32, #tpu.memory_space<vmem>>, vector<1x64xf32>
    %add3A = vector.broadcast %get3A_27 : vector<1x64xf32> to vector<8192x64xf32>
    %add3A_28 = arith.addf %dot_general3A_19, %add3A : vector<8192x64xf32>
    %swap3A_29 = arith.constant 0 : index
    %swap3A_30 = arith.constant 0 : index
    %swap3A_31 = vector.load %arg6[%swap3A_29, %swap3A_30] : memref<8192x128xf32, #tpu.memory_space<vmem>>, vector<8192x64xf32>
    tpu.vector_store %arg6[%swap3A_29, %swap3A_30], %add3A_28 {strides = array<i32>} : memref<8192x128xf32, #tpu.memory_space<vmem>>, vector<8192x64xf32>,
    %broadcast_in_dim3A = arith.constant 0.000000e+00 : f32
    %broadcast_in_dim3A_32 = vector.broadcast %broadcast_in_dim3A : f32 to vector<8192x64xf32>
    %swap3A_33 = arith.constant 0 : index
    %swap3A_34 = arith.constant 64 : index
    %swap3A_35 = vector.load %arg6[%swap3A_33, %swap3A_34] : memref<8192x128xf32, #tpu.memory_space<vmem>>, vector<8192x64xf32>
    tpu.vector_store %arg6[%swap3A_33, %swap3A_34], %broadcast_in_dim3A_32 {strides = array<i32>} : memref<8192x128xf32, #tpu.memory_space<vmem>>, vector<8192x64xf32>,
    return
  }
  func.func @transform_0(%arg0: i32) -> (i32, i32) {
    %c0_i32 = arith.constant 0 : i32
    %c0_i32_0 = arith.constant 0 : i32
    return %c0_i32, %arg0 : i32, i32
  }
  func.func @transform_1(%arg0: i32) -> (i32, i32) {
    %c0_i32 = arith.constant 0 : i32
    %c0_i32_0 = arith.constant 0 : i32
    return %c0_i32, %arg0 : i32, i32
  }
  func.func @transform_2(%arg0: i32) -> (i32, i32) {
    %c0_i32 = arith.constant 0 : i32
    %c0_i32_0 = arith.constant 0 : i32
    %c0_i32_1 = arith.constant 0 : i32
    return %c0_i32, %c0_i32_0 : i32, i32
  }
  func.func @transform_3(%arg0: i32) -> (i32, i32) {
    %c0_i32 = arith.constant 0 : i32
    %c0_i32_0 = arith.constant 0 : i32
    %c0_i32_1 = arith.constant 0 : i32
    return %c0_i32, %c0_i32_0 : i32, i32
  }
  func.func @transform_4(%arg0: i32) -> (i32, i32) {
    %c0_i32 = arith.constant 0 : i32
    %c0_i32_0 = arith.constant 0 : i32
    return %arg0, %c0_i32 : i32, i32
  }
  func.func @transform_5(%arg0: i32) -> (i32, i32) {
    %c0_i32 = arith.constant 0 : i32
    %c0_i32_0 = arith.constant 0 : i32
    return %arg0, %c0_i32 : i32, i32
  }
}

</mosaic_0001>

<sc_bundles>
// kernel: kernel.4.cloned.1.call-start
scs
__scs_entry_jumppad:
0x0: {  	(pc) =	sbr.rel $0x88, $3  }
0x1: {  	(tag) =	ssettag $0x0;
	lr =	simm.s32 $0x1  }
0x2: {  	[smem:$0x3F9C] =	sst lr;
	_ =	strace $0xD0000000  }
0x3: {  	_ = 	snop  }
0x4: {  	_ = 	snop  }
0x5: {  	_ = 	snop  }
0x6: {  	_ = 	snop  }
0x7: {  	_ = 	snop  }
__scs_overlays_trampoline_lowered:
0x8: {  	[smem:$0x3FAB] =	sst s0  }
0x9: {  	[smem:$0x3FAC] =	sst s1  }
0xa: {  	[smem:$0x3FAD] =	sst s2  }
0xb: {  	[smem:$0x3FAE] =	sst s3  }
0xc: {  	[smem:$0x3FAF] =	sst s4  }
0xd: {  	[smem:$0x3FB0] =	sst s5  }
0xe: {  	[smem:$0x3FB1] =	sst s6  }
0xf: {  	[smem:$0x3FB2] =	sst s7  }
0x10: {  	[smem:$0x3FB3] =	sst s8  }
0x11: {  	[smem:$0x3FB4] =	sst s9;
	s0 =	simm.s32 @!p0 $0x0  }
0x12: {  	s1 =	sld [smem:$0x3F9A];
	s0 =	simm.s32 @p0 $0x1  }
0x13: {  	[smem:$0x3FB5] =	sst s0;
	s0 =	simm.s32 @!p1 $0x0  }
0x14: {  	s2 =	sld [smem:$0x3F99];
	s0 =	simm.s32 @p1 $0x1  }
0x15: {  	[smem:$0x3FB6] =	sst s0;
	s0 =	simm.s32 @!p2 $0x0  }
0x16: {  	s3 =	sld [smem:$0x3FDB];
	s0 =	simm.s32 @p2 $0x1  }
0x17: {  	s4 =	simm.s32 $0x1BF5;
	[smem:$0x3FB8] =	sst s0  }
0x18: {  	s0 =	sld [smem:$0x3F9B];
	_ =	swait.ge [sflag:s4], $0x0  }
0x19: {  	s7 =	sld [smem:$0x3F9C]  }
0x1a: {  	s8 =	sadd.s32 $0xFFFFE003, lr  }
0x1b: {  	s9 =	sadd.s32 $0xFFFFFEF7, lr;
	s5 =	simm.s32 $0xFFFFFFFF;
	p2 =	slt.u32 s8, $0xFFFFF086  }
0x1c: {  	p1 =	slt.u32 s9, $0xF7A;
	s5 =	simm.s32 @!p2 $0x0  }
0x1d: {  	s5 =	simm.s32 @p1 $0x1;
	p0 =	seq.s32 s7, s2  }
0x1e: {  	s7 =	smul.u32 @!p0 $0xF7A, s2;
	p2 =	seq.s32 @!p0 s5, $0x0  }
0x1f: {  	s9 =	smul.u32 $0xF7A, s1;
	s8 =	simm.s32 @!p0 $0x1BF5;
	p2 =	por !p2, p0  }
0x20: {  	[sflag:s8] =	ssyncset.s32 @!p0 $0xFFFFF086;
	s6 =	sadd.s32 @!p0 s3, s7;
	s7 =	simm.s32 @!p0 $0x108  }
0x21: {  	s3 =	sadd.s32 s3, s9;
	s6 =	sadd.s32 @!p0 $0x88, s6;
	s7 =	simm.s32 @p2 $0x1082  }
0x22: {  	[simem:s7], [sflag:s8] =	dma.local @!p0 [hbm:s6], $0xF7A  }
0x23: {  	s9 =	sor.u32 $0xD0000000, s2;
	s6 =	simm.s32 $0x108;
	_ =	swait.ge @!p0 [sflag:s8], $0x0  }
0x24: {  	s3 =	sadd.s32 $0x88, s3;
	s6 =	simm.s32 @!p1 $0x1082;
	[sflag:s4] =	ssyncset.s32 $0xFFFFF086  }
0x25: {  	[simem:s6], [sflag:s4] =	dma.local [hbm:s3], $0xF7A  }
0x26: {  	[smem:$0x3F9C] =	sst s1;
	(tag) =	ssettag s2;
	_ =	strace s9  }
0x27: {  	s1 =	sld [smem:$0x3FAC]  }
0x28: {  	s2 =	sld [smem:$0x3FAD]  }
0x29: {  	s4 =	sld [smem:$0x3FAF]  }
0x2a: {  	p0 =	seq.s32 s5, $0x0;
	s5 =	sld [smem:$0x3FB0]  }
0x2b: {  	s6 =	sld [smem:$0x3FB1]  }
0x2c: {  	s7 =	sld [smem:$0x3FB2]  }
0x2d: {  	s3 =	simm.s32 $0x108;
	s8 =	sld [smem:$0x3FB3]  }
0x2e: {  	s3 =	simm.s32 @!p0 $0x1082;
	s9 =	sld [smem:$0x3FB4]  }
0x2f: {  	lr =	sadd.s32 s0, s3;
	s0 =	sld [smem:$0x3FAB]  }
0x30: {  	s3 =	sld [smem:$0x3FAE]  }
0x31: {  	[smem:$0x3FB7] =	sst s10  }
0x32: {  	s10 =	sld [smem:$0x3FB5];
	_ =	sdelay $0x3  }
0x33: {  	p0 =	seq.s32 s10, $0x1;
	s10 =	sld [smem:$0x3FB7];
	_ =	sdelay $0x3  }
0x34: {  	[smem:$0x3FB7] =	sst s10  }
0x35: {  	s10 =	sld [smem:$0x3FB6];
	_ =	sdelay $0x3  }
0x36: {  	p1 =	seq.s32 s10, $0x1;
	s10 =	sld [smem:$0x3FB7];
	_ =	sdelay $0x3  }
0x37: {  	[smem:$0x3FB7] =	sst s10  }
0x38: {  	s10 =	sld [smem:$0x3FB8]  }
0x39: {  	_ = 	snop;
	(pc) =	sbr.ind lr, $3  }
0x3a: {  	_ = 	snop  }
0x3b: {  	_ = 	snop  }
0x3c: {  	p2 =	seq.s32 s10, $0x1;
	s10 =	sld [smem:$0x3FB7]  }
0x3d: {  	_ =	shalt  }
0x3e: {  	_ =	shalt  }
0x3f: {  	_ =	shalt  }
0x40: {  	_ =	shalt  }
0x41: {  	_ =	shalt  }
0x42: {  	_ =	shalt  }
0x43: {  	_ =	shalt  }
0x44: {  	_ =	shalt  }
0x45: {  	_ =	shalt  }
0x46: {  	_ =	shalt  }
0x47: {  	_ =	shalt  }
0x48: {  	_ =	shalt  }
0x49: {  	_ =	shalt  }
0x4a: {  	_ =	shalt  }
0x4b: {  	_ =	shalt  }
0x4c: {  	_ =	shalt  }
0x4d: {  	_ =	shalt  }
0x4e: {  	_ =	shalt  }
0x4f: {  	_ =	shalt  }
0x50: {  	_ =	shalt  }
0x51: {  	_ =	shalt  }
0x52: {  	_ =	shalt  }
0x53: {  	_ =	shalt  }
0x54: {  	_ =	shalt  }
0x55: {  	_ =	shalt  }
0x56: {  	_ =	shalt  }
0x57: {  	_ =	shalt  }
0x58: {  	_ =	shalt  }
0x59: {  	_ =	shalt  }
0x5a: {  	_ =	shalt  }
0x5b: {  	_ =	shalt  }
0x5c: {  	_ =	shalt  }
0x5d: {  	_ =	shalt  }
0x5e: {  	_ =	shalt  }
0x5f: {  	_ =	shalt  }
0x60: {  	_ =	shalt  }
0x61: {  	_ =	shalt  }
0x62: {  	_ =	shalt  }
0x63: {  	_ =	shalt  }
0x64: {  	_ =	shalt  }
0x65: {  	_ =	shalt  }
0x66: {  	_ =	shalt  }
0x67: {  	_ =	shalt  }
0x68: {  	_ =	shalt  }
0x69: {  	_ =	shalt  }
0x6a: {  	_ =	shalt  }
0x6b: {  	_ =	shalt  }
0x6c: {  	_ =	shalt  }
0x6d: {  	_ =	shalt  }
0x6e: {  	_ =	shalt  }
0x6f: {  	_ =	shalt  }
0x70: {  	_ =	shalt  }
0x71: {  	_ =	shalt  }
0x72: {  	_ =	shalt  }
0x73: {  	_ =	shalt  }
0x74: {  	_ =	shalt  }
0x75: {  	_ =	shalt  }
0x76: {  	_ =	shalt  }
0x77: {  	_ =	shalt  }
0x78: {  	_ =	shalt  }
0x79: {  	_ =	shalt  }
0x7a: {  	_ =	shalt  }
0x7b: {  	_ =	shalt  }
0x7c: {  	_ =	shalt  }
0x7d: {  	_ =	shalt  }
0x7e: {  	_ =	shalt  }
0x7f: {  	_ =	shalt  }
0x80: {  	_ =	shalt  }
0x81: {  	_ =	shalt  }
0x82: {  	_ =	shalt  }
0x83: {  	_ =	shalt  }
0x84: {  	_ =	shalt  }
0x85: {  	_ =	shalt  }
0x86: {  	_ =	shalt  }
0x87: {  	_ =	shalt  }
.Lfunc_end0:
.L_simem_size_0:
called_computation_lowered:
.L_overlay_start_0:
0x88: {  	s2 =	sld [smem:$0x3FD9]  }
0x89: {  	s3 =	sld [smem:$0x3FFE];
	_ =	sdelay $0x1  }
0x8a: {  	s1 =	srdreg.scid  }
0x8b: {  	s0 =	sand.u32 $0x1, s1  }
0x8c: {  	s17 =	sshll.u32 s0, $0xA;
	s2 =	sadd.s32 s3, s2  }
0x8d: {  	s2 =	sadd.s32 s2, s17  }
0x8e: {  	[smem:$0x3FC3] =	sst s2  }
0x8f: {  	_ = 	snop  }
0x90: {  	s2 =	sld [smem:$0x3FD0];
	(tm) =	ssettm $0x1  }
0x91: {  	s18 =	sld [smem:$0x3FFB];
	_ =	sdelay $0x3  }
0x92: {  	_ =	strace s18  }
0x93: {  	s3 =	sld [smem:$0x3FFC];
	_ =	sdelay $0x3  }
0x94: {  	_ =	strace s3  }
0x95: {  	s3 =	sld [smem:$0x3FFD];
	_ =	sdelay $0x3  }
0x96: {  	_ =	strace s3  }
0x97: {  	_ =	strace $0x8FFFFFFF  }
0x98: {  	s19 =	sld [smem:$0x3FDB];
	_ =	sdelay $0x1  }
0x99: {  	s4 =	simm.s32 $_scs_section_size  }
0x9a: {  	s5 =	simm.s32 $_size__tile_overlayer_lowered;
	s6 =	simm.s32 $_tile_overlayer_lowered  }
0x9b: {  	s22 =	simm.s32 $0x1BFF;
	s21 =	sshll.u32 s6, $0x1;
	s3 =	sadd.s32 s4, s19  }
0x9c: {  	s7 =	simm.s32 $0x0;
	s20 =	sshll.u32 s5, $0x1;
	s5 =	sadd.s32 s21, s3  }
0x9d: {  	[timem:s7], [sflag:s22] =	dma.local [hbm:s5], s20  }
0x9e: {  	_ =	swait.ge [sflag:s22], s20  }
0x9f: {  	s4 =	ssub.s32 $0x0, s20;
	[sflag:s22] =	ssyncset.done $0x0  }
0xa0: {  	[sflag:s22] =	ssyncadd.s32 s4;
	_ =	sdelay $0x1  }
0xa1: {  	s23 =	simm.s32 $0x1B8B  }
0xa2: {  	_ =	swait.ge [sflag:s23], $0x1  }
0xa3: {  	[sflag:s23] =	ssyncset.done $0x0  }
0xa4: {  	s25 =	simm.s32 $0x1B8E;
	s24 =	sld [smem:$0x3FFE];
	[sflag:s23] =	ssyncadd.s32 $0xFFFFFFFF  }
0xa5: {  	s26 =	simm.s32 $execute0_lowered;
	[smem:$0x3FD2] =	sst s25  }
0xa6: {  	s5 =	sshll.u32 s26, $0x1;
	_ =	strace $0x80000046;
	[dreg:$0x1] =	wrdreg $0xFFFFFFFF  }
0xa7: {  	s28 =	simm.s32 $_size_execute0_lowered;
	s3 =	sadd.s32 s3, s5;
	[dreg:$0x0] =	wrdreg $0x0  }
0xa8: {  	s5 =	sshll.u32 s28, $0x1;
	[dreg:$0x2] =	wrdreg s3  }
0xa9: {  	[dreg:$0x3] =	wrdreg s5  }
0xaa: {  	[dreg:$0x4] =	wrdreg $0xC0  }
0xab: {  	_ =	task [dreg:s7], $0x5FFFF  }
0xac: {  	[dreg:$0x1] =	wrdreg $0xFFFFFFFF  }
0xad: {  	[dreg:$0x0] =	wrdreg $0x60  }
0xae: {  	[dreg:$0x2] =	wrdreg s24  }
0xaf: {  	[dreg:$0x3] =	wrdreg s2  }
0xb0: {  	[dreg:$0x4] =	wrdreg $0x9  }
0xb1: {  	_ =	task.clear_ibuf [dreg:s7], $0x5FFFF;
	_ =	strace $0x90000046  }
0xb2: {  	s29 =	simm.s32 $0x9;
	_ =	strace $0x80000048  }
0xb3: {  	_ =	swait.ge [sflag:s29], $0x1  }
0xb4: {  	[sflag:s29] =	ssyncadd.s32 $0xFFFFFFFF  }
0xb5: {  	_ =	strace $0x90000048  }
0xb6: {  	_ =	sfence  }
0xb7: {  	s30 =	sld [smem:$0x0];
	_ =	sdelay $0x2  }
0xb8: {  	s31 =	sshll.u32 s1, $0xD;
	s1 =	sshrl.u32 s1, $0x2  }
0xb9: {  	s3 =	sand.u32 $0x4000, s31;
	s1 =	sadd.s32 s1, s30  }
0xba: {  	s0 =	sor.u32 s3, s0;
	s1 =	sshll.u32 s1, $0x11  }
0xbb: {  	s0 =	sor.u32 s1, s0  }
0xbc: {  	s0 =	sadd.s32 $0x8F2B, s0  }
0xbd: {  	[sflag:s0] =	ssyncadd.remote.s32 $0x1  }
0xbe: {  	_ =	sfence.sel $0xFFFF  }
0xbf: {  	[dreg:$0x0] =	wrdreg $0xFFFFFFFF;
	(pc) =	sbr.abs _section_cstart, $3  }
0xc0: {  	[dreg:$0x1] =	wrdreg $0xFFFFFFFF  }
0xc1: {  	_ =	task.clear_ibuf [dreg:s7], $0x2FFFF;
	_ =	strace $0x9FFFFFFF  }
0xc2: {  	(tm) =	ssettm $0x7FFFFFFF  }
0xc3: {  	_ =	shalt  }
tec
execute0_lowered:
.L_overlay_start_1:
0x0: {  	(tag) =	ssettag $0x1  }
0x1: {  	s0 =	rddreg [dreg:$0x0]  }
0x2: {  	s1 =	rddreg [dreg:$0x1];
	s2 =	simm.s32 $0x0;
	s3 =	srdreg.scid  }
0x3: {  	s4 =	stileid.u32;
	s11 =	simm.s32 $0x200;
	s13 =	simm.s32 $0x2  }
0x4: {  	s14 =	simm.s32 $0x80;
	s15 =	simm.s32 $0x600;
	s16 =	simm.s32 $0x8600  }
0x5: {  	s18 =	simm.s32 $0x10600;
	s19 =	simm.s32 $0x4600;
	s21 =	simm.s32 $0xC600  }
0x6: {  	s23 =	simm.s32 $0x14600;
	s24 =	simm.s32 $0x1;
	s25 =	simm.s32 $0x18600  }
0x7: {  	s26 =	simm.s32 $0x100;
	s28 =	simm.s32 $0x300;
	s29 =	simm.s32 $0x500  }
0x8: {  	s30 =	simm.s32 $0x180;
	s31 =	simm.s32 $0x380;
	[smem:$0x7FF] =	sst s2  }
0x9: {  	s5 =	sand.u32 $0x1, s3;
	s3 =	sadd.s32 $0x2200, s0;
	s6 =	sshll.u32 s4, $0xA  }
0xa: {  	s4 =	sadd.s32 $0x188C00, s0;
	s7 =	sshll.u32 s5, $0x9;
	s5 =	ssub.s32 $0x2, s5  }
0xb: {  	_ =	strace $0x80000047;
	s6 =	sor.u32 s7, s6;
	s8 =	sshrl.u32 s5, $0x1  }
0xc: {  	s7 =	sshrl.u32 s6, $0x3;
	s6 =	sshll.u32 s6, $0x3;
	s10 =	ssub.s32 s5, s8  }
0xd: {  	s0 =	sadd.s32 s7, s0;
	s5 =	sadd.s32 s1, s6;
	s10 =	smax.u32 s10, $0x1  }
0xe: {  	s1 =	simm.s32 $0x0;
	s6 =	sadd.s32 $0xA00, s0;
	s7 =	sadd.s32 $0x400, s5  }
0xf: {  	s8 =	sadd.s32 $0x800, s5;
	s9 =	sadd.s32 $0xC00, s5;
	s0 =	simm.s32 $0x580  }
.LBB2_1:
0x10: {  	s12 =	simm.s32 $0x4000  }
0x11: {  	[tilespmem:s2], [sflag:$0x2] =	stream.strided.gather [hbm4b:s6+s11], $0x600, s12, s11, $0x38;
	[tilespmem:$0x1A600] =	vst v63  }
0x12: {  	_ =	swait.ge [sflag:s13], $0x600  }
0x13: {  	[sflag:s13] =	ssyncset.done $0x0  }
0x14: {  	[sflag:s13] =	ssyncadd.s32 $0xFFFFFA00  }
0x15: {  	[tilespmem:s15], [sflag:$0x1] =	stream.indirect.gather [hbm4b:s3+s14], $0x80, s2, s14, $0xb8;
	[tilespmem:$0x1A600] =	vst v63  }
0x16: {  	_ = 	snop  }
0x17: {  	[tilespmem:s16], [sflag:$0x1] =	stream.indirect.gather [hbm4b:s4+s14], $0x80, s11, s14, $0xb8;
	[tilespmem:$0x1A600] =	vst v63  }
0x18: {  	s17 =	simm.s32 $0x400  }
0x19: {  	[tilespmem:s18], [sflag:$0x1] =	stream.indirect.gather [hbm4b:s3+s14], $0x80, s17, s14, $0xb8;
	[tilespmem:$0x1A600] =	vst v63  }
0x1a: {  	_ = 	snop  }
0x1b: {  	[tilespmem:s19], [sflag:$0x1] =	stream.indirect.gather [hbm4b:s3+s14], $0x80, s14, s14, $0xb8;
	[tilespmem:$0x1A600] =	vst v63  }
0x1c: {  	s20 =	simm.s32 $0x280  }
0x1d: {  	[tilespmem:s21], [sflag:$0x1] =	stream.indirect.gather [hbm4b:s4+s14], $0x80, s20, s14, $0xb8;
	[tilespmem:$0x1A600] =	vst v63  }
0x1e: {  	s22 =	simm.s32 $0x480  }
0x1f: {  	[tilespmem:s23], [sflag:$0x1] =	stream.indirect.gather [hbm4b:s3+s14], $0x80, s22, s14, $0xb8;
	[tilespmem:$0x1A600] =	vst v63  }
0x20: {  	_ =	swait.ge [sflag:s24], $0x4000  }
0x21: {  	[sflag:s24] =	ssyncset.done $0x0  }
0x22: {  	[sflag:s24] =	ssyncadd.s32 $0xFFFFC000  }
0x23: {  	_ =	swait.ge [sflag:s24], $0x4000  }
0x24: {  	[sflag:s24] =	ssyncset.done $0x0  }
0x25: {  	[sflag:s24] =	ssyncadd.s32 $0xFFFFC000  }
0x26: {  	_ =	swait.ge [sflag:s24], $0x4000  }
0x27: {  	[sflag:s24] =	ssyncset.done $0x0  }
0x28: {  	s17 =	simm.s32 $0x0;
	[sflag:s24] =	ssyncadd.s32 $0xFFFFC000  }
0x29: {  	v0 =	vld [tilespmem:s17+$0x600]  }
0x2a: {  	v1 =	vld [tilespmem:s17+$0x8600];
	_ =	sdelay $0x1  }
0x2b: {  	v2 =	vld [tilespmem:s17+$0x10640];
	_ =	sdelay $0x2  }
0x2c: {  	v0 =	vadd.f32 v1, v0;
	_ =	sdelay $0x1  }
0x2d: {  	v0 =	vadd.f32 v2, v0  }
0x2e: {  	s12 =	simm.s32 $0x18620  }
0x2f: {  	[tilespmem:s12+$0xFFFFFFE0] =	vst v0  }
0x30: {  	v0 =	vld [tilespmem:s17+$0x610]  }
0x31: {  	v1 =	vld [tilespmem:s17+$0x8610];
	_ =	sdelay $0x1  }
0x32: {  	v2 =	vld [tilespmem:s17+$0x10650];
	_ =	sdelay $0x2  }
0x33: {  	v0 =	vadd.f32 v1, v0;
	_ =	sdelay $0x1  }
0x34: {  	v0 =	vadd.f32 v2, v0;
	_ =	sdelay $0x1  }
0x35: {  	[tilespmem:s12+$0xFFFFFFF0] =	vst v0  }
0x36: {  	v0 =	vld [tilespmem:s17+$0x620]  }
0x37: {  	v1 =	vld [tilespmem:s17+$0x8620];
	_ =	sdelay $0x1  }
0x38: {  	v2 =	vld [tilespmem:s17+$0x10660];
	_ =	sdelay $0x2  }
0x39: {  	v0 =	vadd.f32 v1, v0;
	_ =	sdelay $0x1  }
0x3a: {  	v0 =	vadd.f32 v2, v0;
	_ =	sdelay $0x1  }
0x3b: {  	[tilespmem:s12+$0x0] =	vst v0  }
0x3c: {  	v0 =	vld [tilespmem:s17+$0x630]  }
0x3d: {  	v1 =	vld [tilespmem:s17+$0x8630]  }
0x3e: {  	s20 =	simm.s32 $0x200;
	v2 =	vld [tilespmem:s17+$0x10670];
	s17 =	simm.s32 $0x18620  }
.LBB2_2:
0x3f: {  	_ = 	snop  }
0x40: {  	p0 =	sne.s32 s20, $0xFE00  }
0x41: {  	s12 =	sadd.s32 $0x40, s12;
	s22 =	smov.u32 s20;
	s20 =	sadd.s32 $0x200, s20  }
0x42: {  	v0 =	vadd.f32 v1, v0;
	_ =	sdelay $0x1  }
0x43: {  	v0 =	vadd.f32 v2, v0  }
0x44: {  	s22 =	sshra.s32 s22, $0x2  }
0x45: {  	[tilespmem:s17+$0x10] =	vst v0;
	s17 =	smov.u32 s12  }
0x46: {  	v0 =	vld [tilespmem:s22+$0x600]  }
0x47: {  	v1 =	vld [tilespmem:s22+$0x8600];
	_ =	sdelay $0x1  }
0x48: {  	v2 =	vld [tilespmem:s22+$0x10640];
	_ =	sdelay $0x2  }
0x49: {  	v0 =	vadd.f32 v1, v0;
	_ =	sdelay $0x1  }
0x4a: {  	v0 =	vadd.f32 v2, v0;
	_ =	sdelay $0x1  }
0x4b: {  	[tilespmem:s12+$0xFFFFFFE0] =	vst v0  }
0x4c: {  	v0 =	vld [tilespmem:s22+$0x610]  }
0x4d: {  	v1 =	vld [tilespmem:s22+$0x8610];
	_ =	sdelay $0x1  }
0x4e: {  	v2 =	vld [tilespmem:s22+$0x10650];
	_ =	sdelay $0x2  }
0x4f: {  	v0 =	vadd.f32 v1, v0;
	_ =	sdelay $0x1  }
0x50: {  	v0 =	vadd.f32 v2, v0;
	_ =	sdelay $0x1  }
0x51: {  	[tilespmem:s12+$0xFFFFFFF0] =	vst v0  }
0x52: {  	v0 =	vld [tilespmem:s22+$0x620]  }
0x53: {  	v1 =	vld [tilespmem:s22+$0x8620];
	_ =	sdelay $0x1  }
0x54: {  	v2 =	vld [tilespmem:s22+$0x10660];
	_ =	sdelay $0x2  }
0x55: {  	v0 =	vadd.f32 v1, v0;
	_ =	sdelay $0x1  }
0x56: {  	v0 =	vadd.f32 v2, v0  }
.Ltmp0:
0x57: {  	(pc) =	sbr.rel @p0 .LBB2_2-.Ltmp0, $4  }
0x58: {  	[tilespmem:s12+$0x0] =	vst v0  }
0x59: {  	v0 =	vld [tilespmem:s22+$0x630]  }
0x5a: {  	v1 =	vld [tilespmem:s22+$0x8630]  }
0x5b: {  	v2 =	vld [tilespmem:s22+$0x10670]  }
0x5c: {  	_ =	sdelay $0x2  }
0x5d: {  	v0 =	vadd.f32 v1, v0;
	_ =	sdelay $0x1  }
0x5e: {  	v0 =	vadd.f32 v2, v0;
	_ =	sdelay $0x1  }
0x5f: {  	s12 =	simm.s32 $0x0;
	[tilespmem:s17+$0x10] =	vst v0  }
0x60: {  	[hbm4b:s5+s12] =	stream.linear.scatter [tilespmem:s25], [sflag:$0x2], $0x2000, $0x38;
	[tilespmem:$0x1A600] =	vst v63  }
0x61: {  	_ =	swait.ge [sflag:s13], $0x2000  }
0x62: {  	[sflag:s13] =	ssyncset.done $0x0  }
0x63: {  	[sflag:s13] =	ssyncadd.s32 $0xFFFFE000  }
0x64: {  	[tilespmem:s15], [sflag:$0x1] =	stream.indirect.gather [hbm4b:s3+s14], $0x80, s26, s14, $0xb8;
	[tilespmem:$0x1A600] =	vst v63  }
0x65: {  	_ = 	snop  }
0x66: {  	[tilespmem:s16], [sflag:$0x1] =	stream.indirect.gather [hbm4b:s4+s14], $0x80, s28, s14, $0xb8;
	[tilespmem:$0x1A600] =	vst v63  }
0x67: {  	_ = 	snop  }
0x68: {  	[tilespmem:s18], [sflag:$0x1] =	stream.indirect.gather [hbm4b:s3+s14], $0x80, s29, s14, $0xb8;
	[tilespmem:$0x1A600] =	vst v63  }
0x69: {  	_ =	swait.ge [sflag:s24], $0x4000  }
0x6a: {  	[sflag:s24] =	ssyncset.done $0x0  }
0x6b: {  	[sflag:s24] =	ssyncadd.s32 $0xFFFFC000  }
0x6c: {  	_ =	swait.ge [sflag:s24], $0x4000  }
0x6d: {  	[sflag:s24] =	ssyncset.done $0x0  }
0x6e: {  	[sflag:s24] =	ssyncadd.s32 $0xFFFFC000  }
0x6f: {  	_ =	swait.ge [sflag:s24], $0x4000  }
0x70: {  	[sflag:s24] =	ssyncset.done $0x0  }
0x71: {  	s22 =	simm.s32 $0x0;
	[sflag:s24] =	ssyncadd.s32 $0xFFFFC000  }
0x72: {  	v0 =	vld [tilespmem:s22+$0x4600]  }
0x73: {  	v1 =	vld [tilespmem:s22+$0xC600];
	_ =	sdelay $0x1  }
0x74: {  	v2 =	vld [tilespmem:s22+$0x14640];
	_ =	sdelay $0x2  }
0x75: {  	v0 =	vadd.f32 v1, v0;
	_ =	sdelay $0x1  }
0x76: {  	v0 =	vadd.f32 v2, v0  }
0x77: {  	s12 =	simm.s32 $0x18620  }
0x78: {  	[tilespmem:s12+$0xFFFFFFE0] =	vst v0  }
0x79: {  	v0 =	vld [tilespmem:s22+$0x4610]  }
0x7a: {  	v1 =	vld [tilespmem:s22+$0xC610];
	_ =	sdelay $0x1  }
0x7b: {  	v2 =	vld [tilespmem:s22+$0x14650];
	_ =	sdelay $0x2  }
0x7c: {  	v0 =	vadd.f32 v1, v0;
	_ =	sdelay $0x1  }
0x7d: {  	v0 =	vadd.f32 v2, v0;
	_ =	sdelay $0x1  }
0x7e: {  	[tilespmem:s12+$0xFFFFFFF0] =	vst v0  }
0x7f: {  	v0 =	vld [tilespmem:s22+$0x4620]  }
0x80: {  	v1 =	vld [tilespmem:s22+$0xC620];
	_ =	sdelay $0x1  }
0x81: {  	v2 =	vld [tilespmem:s22+$0x14660];
	_ =	sdelay $0x2  }
0x82: {  	v0 =	vadd.f32 v1, v0;
	_ =	sdelay $0x1  }
0x83: {  	v0 =	vadd.f32 v2, v0;
	_ =	sdelay $0x1  }
0x84: {  	[tilespmem:s12+$0x0] =	vst v0  }
0x85: {  	v0 =	vld [tilespmem:s22+$0x4630]  }
0x86: {  	v1 =	vld [tilespmem:s22+$0xC630]  }
0x87: {  	s20 =	simm.s32 $0x200;
	s17 =	simm.s32 $0x18620;
	v2 =	vld [tilespmem:s22+$0x14670]  }
.LBB2_4:
0x88: {  	_ = 	snop  }
0x89: {  	p0 =	sne.s32 s20, $0xFE00  }
0x8a: {  	s12 =	sadd.s32 $0x40, s12;
	s22 =	smov.u32 s20;
	s20 =	sadd.s32 $0x200, s20  }
0x8b: {  	v0 =	vadd.f32 v1, v0;
	_ =	sdelay $0x1  }
0x8c: {  	v0 =	vadd.f32 v2, v0  }
0x8d: {  	s22 =	sshra.s32 s22, $0x2  }
0x8e: {  	[tilespmem:s17+$0x10] =	vst v0;
	s17 =	smov.u32 s12  }
0x8f: {  	v0 =	vld [tilespmem:s22+$0x4600]  }
0x90: {  	v1 =	vld [tilespmem:s22+$0xC600];
	_ =	sdelay $0x1  }
0x91: {  	v2 =	vld [tilespmem:s22+$0x14640];
	_ =	sdelay $0x2  }
0x92: {  	v0 =	vadd.f32 v1, v0;
	_ =	sdelay $0x1  }
0x93: {  	v0 =	vadd.f32 v2, v0;
	_ =	sdelay $0x1  }
0x94: {  	[tilespmem:s12+$0xFFFFFFE0] =	vst v0  }
0x95: {  	v0 =	vld [tilespmem:s22+$0x4610]  }
0x96: {  	v1 =	vld [tilespmem:s22+$0xC610];
	_ =	sdelay $0x1  }
0x97: {  	v2 =	vld [tilespmem:s22+$0x14650];
	_ =	sdelay $0x2  }
0x98: {  	v0 =	vadd.f32 v1, v0;
	_ =	sdelay $0x1  }
0x99: {  	v0 =	vadd.f32 v2, v0;
	_ =	sdelay $0x1  }
0x9a: {  	[tilespmem:s12+$0xFFFFFFF0] =	vst v0  }
0x9b: {  	v0 =	vld [tilespmem:s22+$0x4620]  }
0x9c: {  	v1 =	vld [tilespmem:s22+$0xC620];
	_ =	sdelay $0x1  }
0x9d: {  	v2 =	vld [tilespmem:s22+$0x14660];
	_ =	sdelay $0x2  }
0x9e: {  	v0 =	vadd.f32 v1, v0;
	_ =	sdelay $0x1  }
0x9f: {  	v0 =	vadd.f32 v2, v0  }
.Ltmp1:
0xa0: {  	(pc) =	sbr.rel @p0 .LBB2_4-.Ltmp1, $4  }
0xa1: {  	[tilespmem:s12+$0x0] =	vst v0  }
0xa2: {  	v0 =	vld [tilespmem:s22+$0x4630]  }
0xa3: {  	v1 =	vld [tilespmem:s22+$0xC630]  }
0xa4: {  	v2 =	vld [tilespmem:s22+$0x14670]  }
0xa5: {  	_ =	sdelay $0x2  }
0xa6: {  	v0 =	vadd.f32 v1, v0;
	_ =	sdelay $0x1  }
0xa7: {  	v0 =	vadd.f32 v2, v0;
	_ =	sdelay $0x1  }
0xa8: {  	s12 =	simm.s32 $0x0;
	[tilespmem:s17+$0x10] =	vst v0  }
0xa9: {  	[hbm4b:s7+s12] =	stream.linear.scatter [tilespmem:s25], [sflag:$0x2], $0x2000, $0x38;
	[tilespmem:$0x1A600] =	vst v63  }
0xaa: {  	_ =	swait.ge [sflag:s13], $0x2000  }
0xab: {  	[sflag:s13] =	ssyncset.done $0x0  }
0xac: {  	[sflag:s13] =	ssyncadd.s32 $0xFFFFE000  }
0xad: {  	[tilespmem:s19], [sflag:$0x1] =	stream.indirect.gather [hbm4b:s3+s14], $0x80, s30, s14, $0xb8;
	[tilespmem:$0x1A600] =	vst v63  }
0xae: {  	_ = 	snop  }
0xaf: {  	[tilespmem:s21], [sflag:$0x1] =	stream.indirect.gather [hbm4b:s4+s14], $0x80, s31, s14, $0xb8;
	[tilespmem:$0x1A600] =	vst v63  }
0xb0: {  	_ = 	snop  }
0xb1: {  	[tilespmem:s23], [sflag:$0x1] =	stream.indirect.gather [hbm4b:s3+s14], $0x80, s0, s14, $0xb8;
	[tilespmem:$0x1A600] =	vst v63  }
0xb2: {  	_ =	swait.ge [sflag:s24], $0x4000  }
0xb3: {  	[sflag:s24] =	ssyncset.done $0x0  }
0xb4: {  	[sflag:s24] =	ssyncadd.s32 $0xFFFFC000  }
0xb5: {  	_ =	swait.ge [sflag:s24], $0x4000  }
0xb6: {  	[sflag:s24] =	ssyncset.done $0x0  }
0xb7: {  	[sflag:s24] =	ssyncadd.s32 $0xFFFFC000  }
0xb8: {  	_ =	swait.ge [sflag:s24], $0x4000  }
0xb9: {  	[sflag:s24] =	ssyncset.done $0x0  }
0xba: {  	s22 =	simm.s32 $0x0;
	[sflag:s24] =	ssyncadd.s32 $0xFFFFC000  }
0xbb: {  	v0 =	vld [tilespmem:s22+$0x600]  }
0xbc: {  	v1 =	vld [tilespmem:s22+$0x8600];
	_ =	sdelay $0x1  }
0xbd: {  	v2 =	vld [tilespmem:s22+$0x10640];
	_ =	sdelay $0x2  }
0xbe: {  	v0 =	vadd.f32 v1, v0;
	_ =	sdelay $0x1  }
0xbf: {  	v0 =	vadd.f32 v2, v0  }
0xc0: {  	s12 =	simm.s32 $0x18620  }
0xc1: {  	[tilespmem:s12+$0xFFFFFFE0] =	vst v0  }
0xc2: {  	v0 =	vld [tilespmem:s22+$0x610]  }
0xc3: {  	v1 =	vld [tilespmem:s22+$0x8610];
	_ =	sdelay $0x1  }
0xc4: {  	v2 =	vld [tilespmem:s22+$0x10650];
	_ =	sdelay $0x2  }
0xc5: {  	v0 =	vadd.f32 v1, v0;
	_ =	sdelay $0x1  }
0xc6: {  	v0 =	vadd.f32 v2, v0;
	_ =	sdelay $0x1  }
0xc7: {  	[tilespmem:s12+$0xFFFFFFF0] =	vst v0  }
0xc8: {  	v0 =	vld [tilespmem:s22+$0x620]  }
0xc9: {  	v1 =	vld [tilespmem:s22+$0x8620];
	_ =	sdelay $0x1  }
0xca: {  	v2 =	vld [tilespmem:s22+$0x10660];
	_ =	sdelay $0x2  }
0xcb: {  	v0 =	vadd.f32 v1, v0;
	_ =	sdelay $0x1  }
0xcc: {  	v0 =	vadd.f32 v2, v0;
	_ =	sdelay $0x1  }
0xcd: {  	[tilespmem:s12+$0x0] =	vst v0  }
0xce: {  	v0 =	vld [tilespmem:s22+$0x630]  }
0xcf: {  	v1 =	vld [tilespmem:s22+$0x8630]  }
0xd0: {  	s20 =	simm.s32 $0x200;
	s17 =	simm.s32 $0x18620;
	v2 =	vld [tilespmem:s22+$0x10670]  }
.LBB2_6:
0xd1: {  	_ = 	snop  }
0xd2: {  	p0 =	sne.s32 s20, $0xFE00  }
0xd3: {  	s12 =	sadd.s32 $0x40, s12;
	s22 =	smov.u32 s20;
	s20 =	sadd.s32 $0x200, s20  }
0xd4: {  	v0 =	vadd.f32 v1, v0;
	_ =	sdelay $0x1  }
0xd5: {  	v0 =	vadd.f32 v2, v0  }
0xd6: {  	s22 =	sshra.s32 s22, $0x2  }
0xd7: {  	[tilespmem:s17+$0x10] =	vst v0;
	s17 =	smov.u32 s12  }
0xd8: {  	v0 =	vld [tilespmem:s22+$0x600]  }
0xd9: {  	v1 =	vld [tilespmem:s22+$0x8600];
	_ =	sdelay $0x1  }
0xda: {  	v2 =	vld [tilespmem:s22+$0x10640];
	_ =	sdelay $0x2  }
0xdb: {  	v0 =	vadd.f32 v1, v0;
	_ =	sdelay $0x1  }
0xdc: {  	v0 =	vadd.f32 v2, v0;
	_ =	sdelay $0x1  }
0xdd: {  	[tilespmem:s12+$0xFFFFFFE0] =	vst v0  }
0xde: {  	v0 =	vld [tilespmem:s22+$0x610]  }
0xdf: {  	v1 =	vld [tilespmem:s22+$0x8610];
	_ =	sdelay $0x1  }
0xe0: {  	v2 =	vld [tilespmem:s22+$0x10650];
	_ =	sdelay $0x2  }
0xe1: {  	v0 =	vadd.f32 v1, v0;
	_ =	sdelay $0x1  }
0xe2: {  	v0 =	vadd.f32 v2, v0;
	_ =	sdelay $0x1  }
0xe3: {  	[tilespmem:s12+$0xFFFFFFF0] =	vst v0  }
0xe4: {  	v0 =	vld [tilespmem:s22+$0x620]  }
0xe5: {  	v1 =	vld [tilespmem:s22+$0x8620];
	_ =	sdelay $0x1  }
0xe6: {  	v2 =	vld [tilespmem:s22+$0x10660];
	_ =	sdelay $0x2  }
0xe7: {  	v0 =	vadd.f32 v1, v0;
	_ =	sdelay $0x1  }
0xe8: {  	v0 =	vadd.f32 v2, v0  }
.Ltmp2:
0xe9: {  	(pc) =	sbr.rel @p0 .LBB2_6-.Ltmp2, $4  }
0xea: {  	[tilespmem:s12+$0x0] =	vst v0  }
0xeb: {  	v0 =	vld [tilespmem:s22+$0x630]  }
0xec: {  	v1 =	vld [tilespmem:s22+$0x8630]  }
0xed: {  	v2 =	vld [tilespmem:s22+$0x10670]  }
0xee: {  	_ =	sdelay $0x2  }
0xef: {  	v0 =	vadd.f32 v1, v0;
	_ =	sdelay $0x1  }
0xf0: {  	v0 =	vadd.f32 v2, v0;
	_ =	sdelay $0x1  }
0xf1: {  	s12 =	simm.s32 $0x0;
	[tilespmem:s17+$0x10] =	vst v0  }
0xf2: {  	[hbm4b:s8+s12] =	stream.linear.scatter [tilespmem:s25], [sflag:$0x2], $0x2000, $0x38;
	[tilespmem:$0x1A600] =	vst v63  }
0xf3: {  	_ =	swait.ge [sflag:s13], $0x2000  }
0xf4: {  	[sflag:s13] =	ssyncset.done $0x0  }
0xf5: {  	[sflag:s13] =	ssyncadd.s32 $0xFFFFE000  }
0xf6: {  	_ =	swait.ge [sflag:s24], $0x4000  }
0xf7: {  	[sflag:s24] =	ssyncset.done $0x0  }
0xf8: {  	[sflag:s24] =	ssyncadd.s32 $0xFFFFC000  }
0xf9: {  	_ =	swait.ge [sflag:s24], $0x4000  }
0xfa: {  	[sflag:s24] =	ssyncset.done $0x0  }
0xfb: {  	[sflag:s24] =	ssyncadd.s32 $0xFFFFC000  }
0xfc: {  	_ =	swait.ge [sflag:s24], $0x4000  }
0xfd: {  	[sflag:s24] =	ssyncset.done $0x0  }
0xfe: {  	s22 =	simm.s32 $0x0;
	[sflag:s24] =	ssyncadd.s32 $0xFFFFC000  }
0xff: {  	v0 =	vld [tilespmem:s22+$0x4600]  }
0x100: {  	v1 =	vld [tilespmem:s22+$0xC600];
	_ =	sdelay $0x1  }
0x101: {  	v2 =	vld [tilespmem:s22+$0x14640];
	_ =	sdelay $0x2  }
0x102: {  	v0 =	vadd.f32 v1, v0;
	_ =	sdelay $0x1  }
0x103: {  	v0 =	vadd.f32 v2, v0  }
0x104: {  	s12 =	simm.s32 $0x18620  }
0x105: {  	[tilespmem:s12+$0xFFFFFFE0] =	vst v0  }
0x106: {  	v0 =	vld [tilespmem:s22+$0x4610]  }
0x107: {  	v1 =	vld [tilespmem:s22+$0xC610];
	_ =	sdelay $0x1  }
0x108: {  	v2 =	vld [tilespmem:s22+$0x14650];
	_ =	sdelay $0x2  }
0x109: {  	v0 =	vadd.f32 v1, v0;
	_ =	sdelay $0x1  }
0x10a: {  	v0 =	vadd.f32 v2, v0;
	_ =	sdelay $0x1  }
0x10b: {  	[tilespmem:s12+$0xFFFFFFF0] =	vst v0  }
0x10c: {  	v0 =	vld [tilespmem:s22+$0x4620]  }
0x10d: {  	v1 =	vld [tilespmem:s22+$0xC620];
	_ =	sdelay $0x1  }
0x10e: {  	v2 =	vld [tilespmem:s22+$0x14660];
	_ =	sdelay $0x2  }
0x10f: {  	v0 =	vadd.f32 v1, v0;
	_ =	sdelay $0x1  }
0x110: {  	v0 =	vadd.f32 v2, v0;
	_ =	sdelay $0x1  }
0x111: {  	[tilespmem:s12+$0x0] =	vst v0  }
0x112: {  	v0 =	vld [tilespmem:s22+$0x4630]  }
0x113: {  	v1 =	vld [tilespmem:s22+$0xC630]  }
0x114: {  	s20 =	simm.s32 $0x200;
	s17 =	simm.s32 $0x18620;
	v2 =	vld [tilespmem:s22+$0x14670]  }
.LBB2_8:
0x115: {  	_ = 	snop  }
0x116: {  	p0 =	sne.s32 s20, $0xFE00  }
0x117: {  	s12 =	sadd.s32 $0x40, s12;
	s22 =	smov.u32 s20;
	s20 =	sadd.s32 $0x200, s20  }
0x118: {  	v0 =	vadd.f32 v1, v0;
	_ =	sdelay $0x1  }
0x119: {  	v0 =	vadd.f32 v2, v0  }
0x11a: {  	s22 =	sshra.s32 s22, $0x2  }
0x11b: {  	[tilespmem:s17+$0x10] =	vst v0;
	s17 =	smov.u32 s12  }
0x11c: {  	v0 =	vld [tilespmem:s22+$0x4600]  }
0x11d: {  	v1 =	vld [tilespmem:s22+$0xC600];
	_ =	sdelay $0x1  }
0x11e: {  	v2 =	vld [tilespmem:s22+$0x14640];
	_ =	sdelay $0x2  }
0x11f: {  	v0 =	vadd.f32 v1, v0;
	_ =	sdelay $0x1  }
0x120: {  	v0 =	vadd.f32 v2, v0;
	_ =	sdelay $0x1  }
0x121: {  	[tilespmem:s12+$0xFFFFFFE0] =	vst v0  }
0x122: {  	v0 =	vld [tilespmem:s22+$0x4610]  }
0x123: {  	v1 =	vld [tilespmem:s22+$0xC610];
	_ =	sdelay $0x1  }
0x124: {  	v2 =	vld [tilespmem:s22+$0x14650];
	_ =	sdelay $0x2  }
0x125: {  	v0 =	vadd.f32 v1, v0;
	_ =	sdelay $0x1  }
0x126: {  	v0 =	vadd.f32 v2, v0;
	_ =	sdelay $0x1  }
0x127: {  	[tilespmem:s12+$0xFFFFFFF0] =	vst v0  }
0x128: {  	v0 =	vld [tilespmem:s22+$0x4620]  }
0x129: {  	v1 =	vld [tilespmem:s22+$0xC620];
	_ =	sdelay $0x1  }
0x12a: {  	v2 =	vld [tilespmem:s22+$0x14660];
	_ =	sdelay $0x2  }
0x12b: {  	v0 =	vadd.f32 v1, v0;
	_ =	sdelay $0x1  }
0x12c: {  	v0 =	vadd.f32 v2, v0  }
.Ltmp3:
0x12d: {  	(pc) =	sbr.rel @p0 .LBB2_8-.Ltmp3, $4  }
0x12e: {  	[tilespmem:s12+$0x0] =	vst v0  }
0x12f: {  	v0 =	vld [tilespmem:s22+$0x4630]  }
0x130: {  	v1 =	vld [tilespmem:s22+$0xC630]  }
0x131: {  	v2 =	vld [tilespmem:s22+$0x14670]  }
0x132: {  	_ =	sdelay $0x2  }
0x133: {  	v0 =	vadd.f32 v1, v0;
	_ =	sdelay $0x1  }
0x134: {  	s1 =	sadd.s32 $0x1, s1;
	v0 =	vadd.f32 v2, v0  }
0x135: {  	p0 =	sne.s32 s1, s10  }
.Ltmp4:
0x136: {  	[tilespmem:s17+$0x10] =	vst v0;
	(pc) =	sbr.rel @p0 .LBB2_1-.Ltmp4, $4  }
0x137: {  	[hbm4b:s9+s2] =	stream.linear.scatter [tilespmem:s25], [sflag:$0x2], $0x2000, $0x38;
	[tilespmem:$0x1A600] =	vst v63  }
0x138: {  	_ =	swait.ge [sflag:s13], $0x2000  }
0x139: {  	[sflag:s13] =	ssyncset.done $0x0  }
0x13a: {  	[sflag:s13] =	ssyncadd.s32 $0xFFFFE000  }
0x13b: {  	_ =	sfence.sel $0x180000  }
0x13c: {  	[bflag:$0x0] =	sbarrier.arrive $0xFFFF  }
0x13d: {  	_ =	strace $0x90000047  }
0x13e: {  	s0 =	stileid.u32;
	[bflag:$0x2] =	sbarrier.arrive $0xFFFF  }
0x13f: {  	p0 =	sne.s32 s0, $0x0;
	s0 =	rddreg [dreg:$0x2]  }
0x140: {  	s0 =	sadd.s32 @!p0 $0x100000, s0  }
0x141: {  	[sflag:s0] =	ssyncadd.tile.s32 @!p0 $0x1;
	_ =	shalt  }
.Lfunc_end2:
_tile_overlayer_lowered:
.L_overlay_start_2:
0x142: {  	(tag) =	ssettag $0x2  }
0x143: {  	s0 =	rddreg [dreg:$0x0];
	s2 =	stileid.u32  }
0x144: {  	s1 =	rddreg [dreg:$0x1];
	p0 =	sne.s32 s2, $0x0  }
0x145: {  	s3 =	rddreg [dreg:$0x2];
	[bflag:$0x3] =	sbarrier.arrive $0xFFFF;
	s2 =	simm.s32 @!p0 $0x1C02  }
0x146: {  	[timem:s3], [sflag:s2] =	dma.local @!p0 [hbm:s0], s1  }
0x147: {  	s0 =	simm.s32 @!p0 $0x2  }
0x148: {  	_ =	swait.ge @!p0 [sflag:s0], s1  }
0x149: {  	s1 =	ssub.s32 @!p0 $0x0, s1;
	[sflag:s0] =	ssyncset.done @!p0 $0x0  }
0x14a: {  	[sflag:s0] =	ssyncadd.s32 @!p0 s1  }
0x14b: {  	[bflag:$0x3] =	sbarrier.arrive $0xFFFF  }
0x14c: {  	_ =	shalt  }

</sc_bundles>
